<compile_context>
chip_gen: v7x
topology: tpu7x:2x2x1
jax: 0.10.2.dev20260603
libtpu: 0.0.44.dev20260713+nightly
codegen_flags: <defaults>
</compile_context>

<pallas_src>
import functools

import jax
import jax.numpy as jnp
from jax import lax
from jax.experimental import pallas as pl
from jax.experimental.pallas import tpu as pltpu
from jax.experimental.pallas import tpu_sc as plsc

B = 16384
H = 32
NUM_CORES = 2
NUM_SUBCORES = 16
NUM_WORKERS = NUM_CORES * NUM_SUBCORES
BPW = B // NUM_WORKERS
LANES = 16
GROUPS = BPW // LANES


def _mf_body(user_hbm, item_hbm, uw_hbm, iw_hbm, ub_hbm, ib_hbm, bias_hbm,
             out_hbm, idx_u, idx_i, u_rows, i_rows, ub_v, ib_v, bias_v,
             pred_v, sem):
    wid = lax.axis_index("s") * NUM_CORES + lax.axis_index("c")
    base = wid * BPW

    pltpu.sync_copy(user_hbm.at[pl.ds(base, BPW)], idx_u)
    pltpu.sync_copy(item_hbm.at[pl.ds(base, BPW)], idx_i)
    pltpu.sync_copy(bias_hbm, bias_v)

    c0 = pltpu.async_copy(uw_hbm.at[idx_u], u_rows, sem)
    c1 = pltpu.async_copy(iw_hbm.at[idx_i], i_rows, sem)
    c2 = pltpu.async_copy(ub_hbm.at[idx_u], ub_v, sem)
    c3 = pltpu.async_copy(ib_hbm.at[idx_i], ib_v, sem)
    c0.wait()
    c1.wait()
    c2.wait()
    c3.wait()

    bias_s = bias_v[pl.ds(0, LANES)][0]
    lanes = lax.iota(jnp.int32, LANES)

    def group(g, carry):
        r0 = g * LANES
        rows = r0 + lanes
        ubx = ub_v[pl.ds(r0, LANES)]
        ibx = ib_v[pl.ds(r0, LANES)]
        acc = jnp.full((LANES,), bias_s, dtype=jnp.float32)
        for h in range(H):
            cols = jnp.full((LANES,), h, dtype=jnp.int32)
            uv = plsc.load_gather(u_rows, [rows, cols])
            iv = plsc.load_gather(i_rows, [rows, cols])
            acc = acc + (uv + ubx) * (iv + ibx)
        pred_v[pl.ds(r0, LANES)] = acc
        return carry

    lax.fori_loop(0, GROUPS, group, 0)
    pltpu.sync_copy(pred_v, out_hbm.at[pl.ds(base, BPW)])


@jax.jit
def _mf_sc(user, item, user_weight, item_weight, user_bias, item_bias, bias):
    mesh = plsc.VectorSubcoreMesh(core_axis_name="c", subcore_axis_name="s")
    kern = functools.partial(
        pl.kernel,
        mesh=mesh,
        out_type=jax.ShapeDtypeStruct((B,), jnp.float32),
        scratch_types=[
            pltpu.VMEM((BPW,), jnp.int32),
            pltpu.VMEM((BPW,), jnp.int32),
            pltpu.VMEM((BPW, H), jnp.float32),
            pltpu.VMEM((BPW, H), jnp.float32),
            pltpu.VMEM((BPW,), jnp.float32),
            pltpu.VMEM((BPW,), jnp.float32),
            pltpu.VMEM((LANES,), jnp.float32),
            pltpu.VMEM((BPW,), jnp.float32),
            pltpu.SemaphoreType.DMA,
        ],
        compiler_params=pltpu.CompilerParams(
            use_tc_tiling_on_sc=False, needs_layout_passes=False),
    )(_mf_body)
    return kern(user, item, user_weight, item_weight, user_bias, item_bias,
                bias)


def kernel(user, item, user_weight, item_weight, user_bias, item_bias, bias):
    bias_pad = jnp.pad(bias.astype(jnp.float32), (0, LANES - 1))
    return _mf_sc(user.astype(jnp.int32), item.astype(jnp.int32),
                  user_weight, item_weight,
                  user_bias.reshape(-1), item_bias.reshape(-1), bias_pad)

# --- scband reference (transcript-rebuilt; emitter-appended) ---
"""Pipeline reference for scband-mf-17386027614868 (READ-ONLY COPY).

The authoritative reference and input builder live on the scoring server;
editing this copy changes nothing except your own understanding.
"""

import jax, jax.numpy as jnp
import numpy as np

B = 16384
U = 1000000
I = 1000000
H = 32

def setup_inputs(seed: int = 0) -> dict:
    key = jax.random.key(seed)
    k1, k2, k3, k4 = jax.random.split(key, 4)
    user = jax.random.randint(k1, (B,), 0, U)
    item = jax.random.randint(k2, (B,), 0, I)
    # parameters per reset_parameters(): normal(0, 0.01) weights, zero biases
    user_weight = jax.random.normal(k3, (U, H), dtype=jnp.float32) * 0.01
    item_weight = jax.random.normal(k4, (I, H), dtype=jnp.float32) * 0.01
    user_bias = jnp.zeros((U, 1), dtype=jnp.float32)
    item_bias = jnp.zeros((I, 1), dtype=jnp.float32)
    bias = jnp.zeros((1,), dtype=jnp.float32)
    return {"user": user, "item": item, "user_weight": user_weight,
            "item_weight": item_weight, "user_bias": user_bias,
            "item_bias": item_bias, "bias": bias}

def reference(user, item, user_weight, item_weight, user_bias, item_bias, bias):
    # user_embedding: emb_table[user] + bias_table[user] (no tag -> no noise)
    u_emb = jnp.take(user_weight, user, axis=0) + jnp.take(user_bias, user, axis=0)  # [B, H]
    i_emb = jnp.take(item_weight, item, axis=0) + jnp.take(item_bias, item, axis=0)  # [B, H]
    # per-pair matmul u_i @ i_i^T reduces to a dot product per row, plus scalar bias
    pred = jnp.sum(u_emb * i_emb, axis=-1) + bias[0]  # [B]
    return pred

if __name__ == "__main__":
    import jax
    _d = setup_inputs()
    print(jax.jit(kernel)(*tuple(_d.values())))

</pallas_src>

<mosaic_0001>
#map = affine_map<(d0, d1) -> (0)>
#map1 = affine_map<(d0, d1) -> (0, 0)>
module attributes {stable_mosaic.version = 14 : i64} {
  func.func @_mf_body(%arg0: i32, %arg1: i32, %arg2: memref<16384xi32, #tpu.memory_space<hbm>>, %arg3: memref<16384xi32, #tpu.memory_space<hbm>>, %arg4: memref<1000000x32xf32, #tpu.memory_space<hbm>>, %arg5: memref<1000000x32xf32, #tpu.memory_space<hbm>>, %arg6: memref<1000000xf32, #tpu.memory_space<hbm>>, %arg7: memref<1000000xf32, #tpu.memory_space<hbm>>, %arg8: memref<16xf32, #tpu.memory_space<hbm>>, %arg9: memref<16384xf32, #tpu.memory_space<hbm>>, %arg10: memref<512xi32, #tpu.memory_space<vmem>>, %arg11: memref<512xi32, #tpu.memory_space<vmem>>, %arg12: memref<512x32xf32, #tpu.memory_space<vmem>>, %arg13: memref<512x32xf32, #tpu.memory_space<vmem>>, %arg14: memref<512xf32, #tpu.memory_space<vmem>>, %arg15: memref<512xf32, #tpu.memory_space<vmem>>, %arg16: memref<16xf32, #tpu.memory_space<vmem>>, %arg17: memref<512xf32, #tpu.memory_space<vmem>>, %arg18: memref<!tpu.dma_semaphore, #tpu.memory_space<semaphore_mem>>) attributes {dimension_semantics = [#tpu.dimension_semantics<core_parallel>, #tpu.dimension_semantics<subcore_parallel>], iteration_bounds = array<i64: 2, 16>, scalar_prefetch = 0 : i64, scratch_operands = 9 : i64, tpu.core_type = #tpu.core_type<sc_vector_subcore>, window_params = [{transform_indices = #map}, {transform_indices = #map}, {transform_indices = #map1}, {transform_indices = #map1}, {transform_indices = #map}, {transform_indices = #map}, {transform_indices = #map}, {transform_indices = #map}]} {
    %mul3A = arith.constant 2 : i32
    %mul3A_0 = arith.muli %arg1, %mul3A : i32
    %add3A = arith.addi %mul3A_0, %arg0 : i32
    %mul3A_1 = arith.constant 512 : i32
    %mul3A_2 = arith.muli %add3A, %mul3A_1 : i32
    "tpu.region"() ({
      %run_scoped3A = tpu.sem_alloc : memref<!tpu.dma_semaphore, #tpu.memory_space<semaphore_mem>>
      %dma_start3A_27 = tpu.memref_slice %arg2[%mul3A_2] : memref<16384xi32, #tpu.memory_space<hbm>> -> memref<512xi32, #tpu.memory_space<hbm>>
      %dma_start3A_28 = tpu.memref_slice %arg2[%mul3A_2] : memref<16384xi32, #tpu.memory_space<hbm>> -> memref<512xi32, #tpu.memory_space<hbm>>
      tpu.enqueue_dma source(%dma_start3A_28 : memref<512xi32, #tpu.memory_space<hbm>>) target(%arg10 : memref<512xi32, #tpu.memory_space<vmem>>) target_semaphore(%run_scoped3A : memref<!tpu.dma_semaphore, #tpu.memory_space<semaphore_mem>>)
      %dma_wait3A_29 = tpu.memref_slice %arg2[%mul3A_2] : memref<16384xi32, #tpu.memory_space<hbm>> -> memref<512xi32, #tpu.memory_space<hbm>>
      %dma_wait3A_30 = tpu.memref_slice %arg2[%mul3A_2] : memref<16384xi32, #tpu.memory_space<hbm>> -> memref<512xi32, #tpu.memory_space<hbm>>
      tpu.wait_dma2 semaphore(%run_scoped3A : memref<!tpu.dma_semaphore, #tpu.memory_space<semaphore_mem>>) src(%dma_wait3A_30 : memref<512xi32, #tpu.memory_space<hbm>>) dst(%arg10 : memref<512xi32, #tpu.memory_space<vmem>>)
      tpu.yield
    }) : () -> ()
    "tpu.region"() ({
      %run_scoped3A = tpu.sem_alloc : memref<!tpu.dma_semaphore, #tpu.memory_space<semaphore_mem>>
      %dma_start3A_27 = tpu.memref_slice %arg3[%mul3A_2] : memref<16384xi32, #tpu.memory_space<hbm>> -> memref<512xi32, #tpu.memory_space<hbm>>
      %dma_start3A_28 = tpu.memref_slice %arg3[%mul3A_2] : memref<16384xi32, #tpu.memory_space<hbm>> -> memref<512xi32, #tpu.memory_space<hbm>>
      tpu.enqueue_dma source(%dma_start3A_28 : memref<512xi32, #tpu.memory_space<hbm>>) target(%arg11 : memref<512xi32, #tpu.memory_space<vmem>>) target_semaphore(%run_scoped3A : memref<!tpu.dma_semaphore, #tpu.memory_space<semaphore_mem>>)
      %dma_wait3A_29 = tpu.memref_slice %arg3[%mul3A_2] : memref<16384xi32, #tpu.memory_space<hbm>> -> memref<512xi32, #tpu.memory_space<hbm>>
      %dma_wait3A_30 = tpu.memref_slice %arg3[%mul3A_2] : memref<16384xi32, #tpu.memory_space<hbm>> -> memref<512xi32, #tpu.memory_space<hbm>>
      tpu.wait_dma2 semaphore(%run_scoped3A : memref<!tpu.dma_semaphore, #tpu.memory_space<semaphore_mem>>) src(%dma_wait3A_30 : memref<512xi32, #tpu.memory_space<hbm>>) dst(%arg11 : memref<512xi32, #tpu.memory_space<vmem>>)
      tpu.yield
    }) : () -> ()
    "tpu.region"() ({
      %run_scoped3A = tpu.sem_alloc : memref<!tpu.dma_semaphore, #tpu.memory_space<semaphore_mem>>
      tpu.enqueue_dma source(%arg8 : memref<16xf32, #tpu.memory_space<hbm>>) target(%arg16 : memref<16xf32, #tpu.memory_space<vmem>>) target_semaphore(%run_scoped3A : memref<!tpu.dma_semaphore, #tpu.memory_space<semaphore_mem>>)
      tpu.wait_dma2 semaphore(%run_scoped3A : memref<!tpu.dma_semaphore, #tpu.memory_space<semaphore_mem>>) src(%arg8 : memref<16xf32, #tpu.memory_space<hbm>>) dst(%arg16 : memref<16xf32, #tpu.memory_space<vmem>>)
      tpu.yield
    }) : () -> ()
    %dma_start3A = arith.constant 0 : i32
    %dma_start3A_3 = arith.constant 0 : i32
    %dma_start3A_4 = tpu.memref_slice %arg4[%dma_start3A, %dma_start3A_3] : memref<1000000x32xf32, #tpu.memory_space<hbm>> -> memref<1000000x32xf32, #tpu.memory_space<hbm>>
    tpu.enqueue_indirect_dma source(%dma_start3A_4 : memref<1000000x32xf32, #tpu.memory_space<hbm>>) target(%arg12 : memref<512x32xf32, #tpu.memory_space<vmem>>) offsets(%arg10 : memref<512xi32, #tpu.memory_space<vmem>>) semaphore(%arg18 : memref<!tpu.dma_semaphore, #tpu.memory_space<semaphore_mem>>)
    %dma_start3A_5 = arith.constant 0 : i32
    %dma_start3A_6 = arith.constant 0 : i32
    %dma_start3A_7 = tpu.memref_slice %arg5[%dma_start3A_5, %dma_start3A_6] : memref<1000000x32xf32, #tpu.memory_space<hbm>> -> memref<1000000x32xf32, #tpu.memory_space<hbm>>
    tpu.enqueue_indirect_dma source(%dma_start3A_7 : memref<1000000x32xf32, #tpu.memory_space<hbm>>) target(%arg13 : memref<512x32xf32, #tpu.memory_space<vmem>>) offsets(%arg11 : memref<512xi32, #tpu.memory_space<vmem>>) semaphore(%arg18 : memref<!tpu.dma_semaphore, #tpu.memory_space<semaphore_mem>>)
    %dma_start3A_8 = arith.constant 0 : i32
    %dma_start3A_9 = tpu.memref_slice %arg6[%dma_start3A_8] : memref<1000000xf32, #tpu.memory_space<hbm>> -> memref<1000000xf32, #tpu.memory_space<hbm>>
    tpu.enqueue_indirect_dma source(%dma_start3A_9 : memref<1000000xf32, #tpu.memory_space<hbm>>) target(%arg14 : memref<512xf32, #tpu.memory_space<vmem>>) offsets(%arg10 : memref<512xi32, #tpu.memory_space<vmem>>) semaphore(%arg18 : memref<!tpu.dma_semaphore, #tpu.memory_space<semaphore_mem>>)
    %dma_start3A_10 = arith.constant 0 : i32
    %dma_start3A_11 = tpu.memref_slice %arg7[%dma_start3A_10] : memref<1000000xf32, #tpu.memory_space<hbm>> -> memref<1000000xf32, #tpu.memory_space<hbm>>
    tpu.enqueue_indirect_dma source(%dma_start3A_11 : memref<1000000xf32, #tpu.memory_space<hbm>>) target(%arg15 : memref<512xf32, #tpu.memory_space<vmem>>) offsets(%arg11 : memref<512xi32, #tpu.memory_space<vmem>>) semaphore(%arg18 : memref<!tpu.dma_semaphore, #tpu.memory_space<semaphore_mem>>)
    %dma_wait3A = arith.constant 0 : i32
    %dma_wait3A_12 = arith.constant 0 : i32
    %dma_wait3A_13 = tpu.memref_slice %arg4[%dma_wait3A, %dma_wait3A_12] : memref<1000000x32xf32, #tpu.memory_space<hbm>> -> memref<1000000x32xf32, #tpu.memory_space<hbm>>
    tpu.wait_indirect_dma semaphore(%arg18 : memref<!tpu.dma_semaphore, #tpu.memory_space<semaphore_mem>>) src(%dma_wait3A_13 : memref<1000000x32xf32, #tpu.memory_space<hbm>>) dst(%arg12 : memref<512x32xf32, #tpu.memory_space<vmem>>)
    %dma_wait3A_14 = arith.constant 0 : i32
    %dma_wait3A_15 = arith.constant 0 : i32
    %dma_wait3A_16 = tpu.memref_slice %arg5[%dma_wait3A_14, %dma_wait3A_15] : memref<1000000x32xf32, #tpu.memory_space<hbm>> -> memref<1000000x32xf32, #tpu.memory_space<hbm>>
    tpu.wait_indirect_dma semaphore(%arg18 : memref<!tpu.dma_semaphore, #tpu.memory_space<semaphore_mem>>) src(%dma_wait3A_16 : memref<1000000x32xf32, #tpu.memory_space<hbm>>) dst(%arg13 : memref<512x32xf32, #tpu.memory_space<vmem>>)
    %dma_wait3A_17 = arith.constant 0 : i32
    %dma_wait3A_18 = tpu.memref_slice %arg6[%dma_wait3A_17] : memref<1000000xf32, #tpu.memory_space<hbm>> -> memref<1000000xf32, #tpu.memory_space<hbm>>
    tpu.wait_indirect_dma semaphore(%arg18 : memref<!tpu.dma_semaphore, #tpu.memory_space<semaphore_mem>>) src(%dma_wait3A_18 : memref<1000000xf32, #tpu.memory_space<hbm>>) dst(%arg14 : memref<512xf32, #tpu.memory_space<vmem>>)
    %dma_wait3A_19 = arith.constant 0 : i32
    %dma_wait3A_20 = tpu.memref_slice %arg7[%dma_wait3A_19] : memref<1000000xf32, #tpu.memory_space<hbm>> -> memref<1000000xf32, #tpu.memory_space<hbm>>
    tpu.wait_indirect_dma semaphore(%arg18 : memref<!tpu.dma_semaphore, #tpu.memory_space<semaphore_mem>>) src(%dma_wait3A_20 : memref<1000000xf32, #tpu.memory_space<hbm>>) dst(%arg15 : memref<512xf32, #tpu.memory_space<vmem>>)
    %get3A = arith.constant 0 : index
    %get3A_21 = tpu.vector_load %arg16[%get3A] {strides = array<i32>} : memref<16xf32, #tpu.memory_space<vmem>>, vector<16xf32>,
    %slice3A = vector.extract_strided_slice %get3A_21 {offsets = [0], sizes = [1], strides = [1]} : vector<16xf32> to vector<1xf32>
    %squeeze3A = vector.extract %slice3A[0] : f32 from vector<1xf32>
    %iota3A = tpu.iota {dimensions = array<i32: 0>} : vector<16xi32>
    %scan3A = arith.constant 0 : i32
    %scan3A_22 = arith.constant 0 : i32
    %scan3A_23 = arith.constant 32 : i32
    %scan3A_24 = arith.addi %scan3A_22, %scan3A_23 : i32
    %scan3A_25 = arith.constant 1 : i32
    scf.for %scan3A_27 = %scan3A_22 to %scan3A_24 step %scan3A_25  : i32 {
      %mul3A_28 = arith.constant 16 : i32
      %mul3A_29 = arith.muli %scan3A_27, %mul3A_28 : i32
      %add3A_30 = vector.broadcast %mul3A_29 : i32 to vector<16xi32>
      %add3A_31 = arith.addi %add3A_30, %iota3A : vector<16xi32>
      %get3A_32 = arith.index_cast %mul3A_29 : i32 to index
      %get3A_33 = tpu.vector_load %arg14[%get3A_32] {strides = array<i32>} : memref<512xf32, #tpu.memory_space<vmem>>, vector<16xf32>,
      %get3A_34 = arith.index_cast %mul3A_29 : i32 to index
      %get3A_35 = tpu.vector_load %arg15[%get3A_34] {strides = array<i32>} : memref<512xf32, #tpu.memory_space<vmem>>, vector<16xf32>,
      %broadcast_in_dim3A = vector.broadcast %squeeze3A : f32 to vector<16xf32>
      %broadcast_in_dim3A_36 = arith.constant 0 : i32
      %broadcast_in_dim3A_37 = vector.broadcast %broadcast_in_dim3A_36 : i32 to vector<16xi32>
      %gather3A = tpu.vector_load_idx %arg12[%add3A_31, %broadcast_in_dim3A_37] : memref<512x32xf32, #tpu.memory_space<vmem>>[vector<16xi32>, vector<16xi32>], vector<16xf32>,
      %gather3A_38 = tpu.vector_load_idx %arg13[%add3A_31, %broadcast_in_dim3A_37] : memref<512x32xf32, #tpu.memory_space<vmem>>[vector<16xi32>, vector<16xi32>], vector<16xf32>,
      %add3A_39 = arith.addf %gather3A, %get3A_33 : vector<16xf32>
      %add3A_40 = arith.addf %gather3A_38, %get3A_35 : vector<16xf32>
      %mul3A_41 = arith.mulf %add3A_39, %add3A_40 : vector<16xf32>
      %add3A_42 = arith.addf %broadcast_in_dim3A, %mul3A_41 : vector<16xf32>
      %broadcast_in_dim3A_43 = arith.constant 1 : i32
      %broadcast_in_dim3A_44 = vector.broadcast %broadcast_in_dim3A_43 : i32 to vector<16xi32>
      %gather3A_45 = tpu.vector_load_idx %arg12[%add3A_31, %broadcast_in_dim3A_44] : memref<512x32xf32, #tpu.memory_space<vmem>>[vector<16xi32>, vector<16xi32>], vector<16xf32>,
      %gather3A_46 = tpu.vector_load_idx %arg13[%add3A_31, %broadcast_in_dim3A_44] : memref<512x32xf32, #tpu.memory_space<vmem>>[vector<16xi32>, vector<16xi32>], vector<16xf32>,
      %add3A_47 = arith.addf %gather3A_45, %get3A_33 : vector<16xf32>
      %add3A_48 = arith.addf %gather3A_46, %get3A_35 : vector<16xf32>
      %mul3A_49 = arith.mulf %add3A_47, %add3A_48 : vector<16xf32>
      %add3A_50 = arith.addf %add3A_42, %mul3A_49 : vector<16xf32>
      %broadcast_in_dim3A_51 = arith.constant 2 : i32
      %broadcast_in_dim3A_52 = vector.broadcast %broadcast_in_dim3A_51 : i32 to vector<16xi32>
      %gather3A_53 = tpu.vector_load_idx %arg12[%add3A_31, %broadcast_in_dim3A_52] : memref<512x32xf32, #tpu.memory_space<vmem>>[vector<16xi32>, vector<16xi32>], vector<16xf32>,
      %gather3A_54 = tpu.vector_load_idx %arg13[%add3A_31, %broadcast_in_dim3A_52] : memref<512x32xf32, #tpu.memory_space<vmem>>[vector<16xi32>, vector<16xi32>], vector<16xf32>,
      %add3A_55 = arith.addf %gather3A_53, %get3A_33 : vector<16xf32>
      %add3A_56 = arith.addf %gather3A_54, %get3A_35 : vector<16xf32>
      %mul3A_57 = arith.mulf %add3A_55, %add3A_56 : vector<16xf32>
      %add3A_58 = arith.addf %add3A_50, %mul3A_57 : vector<16xf32>
      %broadcast_in_dim3A_59 = arith.constant 3 : i32
      %broadcast_in_dim3A_60 = vector.broadcast %broadcast_in_dim3A_59 : i32 to vector<16xi32>
      %gather3A_61 = tpu.vector_load_idx %arg12[%add3A_31, %broadcast_in_dim3A_60] : memref<512x32xf32, #tpu.memory_space<vmem>>[vector<16xi32>, vector<16xi32>], vector<16xf32>,
      %gather3A_62 = tpu.vector_load_idx %arg13[%add3A_31, %broadcast_in_dim3A_60] : memref<512x32xf32, #tpu.memory_space<vmem>>[vector<16xi32>, vector<16xi32>], vector<16xf32>,
      %add3A_63 = arith.addf %gather3A_61, %get3A_33 : vector<16xf32>
      %add3A_64 = arith.addf %gather3A_62, %get3A_35 : vector<16xf32>
      %mul3A_65 = arith.mulf %add3A_63, %add3A_64 : vector<16xf32>
      %add3A_66 = arith.addf %add3A_58, %mul3A_65 : vector<16xf32>
      %broadcast_in_dim3A_67 = arith.constant 4 : i32
      %broadcast_in_dim3A_68 = vector.broadcast %broadcast_in_dim3A_67 : i32 to vector<16xi32>
      %gather3A_69 = tpu.vector_load_idx %arg12[%add3A_31, %broadcast_in_dim3A_68] : memref<512x32xf32, #tpu.memory_space<vmem>>[vector<16xi32>, vector<16xi32>], vector<16xf32>,
      %gather3A_70 = tpu.vector_load_idx %arg13[%add3A_31, %broadcast_in_dim3A_68] : memref<512x32xf32, #tpu.memory_space<vmem>>[vector<16xi32>, vector<16xi32>], vector<16xf32>,
      %add3A_71 = arith.addf %gather3A_69, %get3A_33 : vector<16xf32>
      %add3A_72 = arith.addf %gather3A_70, %get3A_35 : vector<16xf32>
      %mul3A_73 = arith.mulf %add3A_71, %add3A_72 : vector<16xf32>
      %add3A_74 = arith.addf %add3A_66, %mul3A_73 : vector<16xf32>
      %broadcast_in_dim3A_75 = arith.constant 5 : i32
      %broadcast_in_dim3A_76 = vector.broadcast %broadcast_in_dim3A_75 : i32 to vector<16xi32>
      %gather3A_77 = tpu.vector_load_idx %arg12[%add3A_31, %broadcast_in_dim3A_76] : memref<512x32xf32, #tpu.memory_space<vmem>>[vector<16xi32>, vector<16xi32>], vector<16xf32>,
      %gather3A_78 = tpu.vector_load_idx %arg13[%add3A_31, %broadcast_in_dim3A_76] : memref<512x32xf32, #tpu.memory_space<vmem>>[vector<16xi32>, vector<16xi32>], vector<16xf32>,
      %add3A_79 = arith.addf %gather3A_77, %get3A_33 : vector<16xf32>
      %add3A_80 = arith.addf %gather3A_78, %get3A_35 : vector<16xf32>
      %mul3A_81 = arith.mulf %add3A_79, %add3A_80 : vector<16xf32>
      %add3A_82 = arith.addf %add3A_74, %mul3A_81 : vector<16xf32>
      %broadcast_in_dim3A_83 = arith.constant 6 : i32
      %broadcast_in_dim3A_84 = vector.broadcast %broadcast_in_dim3A_83 : i32 to vector<16xi32>
      %gather3A_85 = tpu.vector_load_idx %arg12[%add3A_31, %broadcast_in_dim3A_84] : memref<512x32xf32, #tpu.memory_space<vmem>>[vector<16xi32>, vector<16xi32>], vector<16xf32>,
      %gather3A_86 = tpu.vector_load_idx %arg13[%add3A_31, %broadcast_in_dim3A_84] : memref<512x32xf32, #tpu.memory_space<vmem>>[vector<16xi32>, vector<16xi32>], vector<16xf32>,
      %add3A_87 = arith.addf %gather3A_85, %get3A_33 : vector<16xf32>
      %add3A_88 = arith.addf %gather3A_86, %get3A_35 : vector<16xf32>
      %mul3A_89 = arith.mulf %add3A_87, %add3A_88 : vector<16xf32>
      %add3A_90 = arith.addf %add3A_82, %mul3A_89 : vector<16xf32>
      %broadcast_in_dim3A_91 = arith.constant 7 : i32
      %broadcast_in_dim3A_92 = vector.broadcast %broadcast_in_dim3A_91 : i32 to vector<16xi32>
      %gather3A_93 = tpu.vector_load_idx %arg12[%add3A_31, %broadcast_in_dim3A_92] : memref<512x32xf32, #tpu.memory_space<vmem>>[vector<16xi32>, vector<16xi32>], vector<16xf32>,
      %gather3A_94 = tpu.vector_load_idx %arg13[%add3A_31, %broadcast_in_dim3A_92] : memref<512x32xf32, #tpu.memory_space<vmem>>[vector<16xi32>, vector<16xi32>], vector<16xf32>,
      %add3A_95 = arith.addf %gather3A_93, %get3A_33 : vector<16xf32>
      %add3A_96 = arith.addf %gather3A_94, %get3A_35 : vector<16xf32>
      %mul3A_97 = arith.mulf %add3A_95, %add3A_96 : vector<16xf32>
      %add3A_98 = arith.addf %add3A_90, %mul3A_97 : vector<16xf32>
      %broadcast_in_dim3A_99 = arith.constant 8 : i32
      %broadcast_in_dim3A_100 = vector.broadcast %broadcast_in_dim3A_99 : i32 to vector<16xi32>
      %gather3A_101 = tpu.vector_load_idx %arg12[%add3A_31, %broadcast_in_dim3A_100] : memref<512x32xf32, #tpu.memory_space<vmem>>[vector<16xi32>, vector<16xi32>], vector<16xf32>,
      %gather3A_102 = tpu.vector_load_idx %arg13[%add3A_31, %broadcast_in_dim3A_100] : memref<512x32xf32, #tpu.memory_space<vmem>>[vector<16xi32>, vector<16xi32>], vector<16xf32>,
      %add3A_103 = arith.addf %gather3A_101, %get3A_33 : vector<16xf32>
      %add3A_104 = arith.addf %gather3A_102, %get3A_35 : vector<16xf32>
      %mul3A_105 = arith.mulf %add3A_103, %add3A_104 : vector<16xf32>
      %add3A_106 = arith.addf %add3A_98, %mul3A_105 : vector<16xf32>
      %broadcast_in_dim3A_107 = arith.constant 9 : i32
      %broadcast_in_dim3A_108 = vector.broadcast %broadcast_in_dim3A_107 : i32 to vector<16xi32>
      %gather3A_109 = tpu.vector_load_idx %arg12[%add3A_31, %broadcast_in_dim3A_108] : memref<512x32xf32, #tpu.memory_space<vmem>>[vector<16xi32>, vector<16xi32>], vector<16xf32>,
      %gather3A_110 = tpu.vector_load_idx %arg13[%add3A_31, %broadcast_in_dim3A_108] : memref<512x32xf32, #tpu.memory_space<vmem>>[vector<16xi32>, vector<16xi32>], vector<16xf32>,
      %add3A_111 = arith.addf %gather3A_109, %get3A_33 : vector<16xf32>
      %add3A_112 = arith.addf %gather3A_110, %get3A_35 : vector<16xf32>
      %mul3A_113 = arith.mulf %add3A_111, %add3A_112 : vector<16xf32>
      %add3A_114 = arith.addf %add3A_106, %mul3A_113 : vector<16xf32>
      %broadcast_in_dim3A_115 = arith.constant 10 : i32
      %broadcast_in_dim3A_116 = vector.broadcast %broadcast_in_dim3A_115 : i32 to vector<16xi32>
      %gather3A_117 = tpu.vector_load_idx %arg12[%add3A_31, %broadcast_in_dim3A_116] : memref<512x32xf32, #tpu.memory_space<vmem>>[vector<16xi32>, vector<16xi32>], vector<16xf32>,
      %gather3A_118 = tpu.vector_load_idx %arg13[%add3A_31, %broadcast_in_dim3A_116] : memref<512x32xf32, #tpu.memory_space<vmem>>[vector<16xi32>, vector<16xi32>], vector<16xf32>,
      %add3A_119 = arith.addf %gather3A_117, %get3A_33 : vector<16xf32>
      %add3A_120 = arith.addf %gather3A_118, %get3A_35 : vector<16xf32>
      %mul3A_121 = arith.mulf %add3A_119, %add3A_120 : vector<16xf32>
      %add3A_122 = arith.addf %add3A_114, %mul3A_121 : vector<16xf32>
      %broadcast_in_dim3A_123 = arith.constant 11 : i32
      %broadcast_in_dim3A_124 = vector.broadcast %broadcast_in_dim3A_123 : i32 to vector<16xi32>
      %gather3A_125 = tpu.vector_load_idx %arg12[%add3A_31, %broadcast_in_dim3A_124] : memref<512x32xf32, #tpu.memory_space<vmem>>[vector<16xi32>, vector<16xi32>], vector<16xf32>,
      %gather3A_126 = tpu.vector_load_idx %arg13[%add3A_31, %broadcast_in_dim3A_124] : memref<512x32xf32, #tpu.memory_space<vmem>>[vector<16xi32>, vector<16xi32>], vector<16xf32>,
      %add3A_127 = arith.addf %gather3A_125, %get3A_33 : vector<16xf32>
      %add3A_128 = arith.addf %gather3A_126, %get3A_35 : vector<16xf32>
      %mul3A_129 = arith.mulf %add3A_127, %add3A_128 : vector<16xf32>
      %add3A_130 = arith.addf %add3A_122, %mul3A_129 : vector<16xf32>
      %broadcast_in_dim3A_131 = arith.constant 12 : i32
      %broadcast_in_dim3A_132 = vector.broadcast %broadcast_in_dim3A_131 : i32 to vector<16xi32>
      %gather3A_133 = tpu.vector_load_idx %arg12[%add3A_31, %broadcast_in_dim3A_132] : memref<512x32xf32, #tpu.memory_space<vmem>>[vector<16xi32>, vector<16xi32>], vector<16xf32>,
      %gather3A_134 = tpu.vector_load_idx %arg13[%add3A_31, %broadcast_in_dim3A_132] : memref<512x32xf32, #tpu.memory_space<vmem>>[vector<16xi32>, vector<16xi32>], vector<16xf32>,
      %add3A_135 = arith.addf %gather3A_133, %get3A_33 : vector<16xf32>
      %add3A_136 = arith.addf %gather3A_134, %get3A_35 : vector<16xf32>
      %mul3A_137 = arith.mulf %add3A_135, %add3A_136 : vector<16xf32>
      %add3A_138 = arith.addf %add3A_130, %mul3A_137 : vector<16xf32>
      %broadcast_in_dim3A_139 = arith.constant 13 : i32
      %broadcast_in_dim3A_140 = vector.broadcast %broadcast_in_dim3A_139 : i32 to vector<16xi32>
      %gather3A_141 = tpu.vector_load_idx %arg12[%add3A_31, %broadcast_in_dim3A_140] : memref<512x32xf32, #tpu.memory_space<vmem>>[vector<16xi32>, vector<16xi32>], vector<16xf32>,
      %gather3A_142 = tpu.vector_load_idx %arg13[%add3A_31, %broadcast_in_dim3A_140] : memref<512x32xf32, #tpu.memory_space<vmem>>[vector<16xi32>, vector<16xi32>], vector<16xf32>,
      %add3A_143 = arith.addf %gather3A_141, %get3A_33 : vector<16xf32>
      %add3A_144 = arith.addf %gather3A_142, %get3A_35 : vector<16xf32>
      %mul3A_145 = arith.mulf %add3A_143, %add3A_144 : vector<16xf32>
      %add3A_146 = arith.addf %add3A_138, %mul3A_145 : vector<16xf32>
      %broadcast_in_dim3A_147 = arith.constant 14 : i32
      %broadcast_in_dim3A_148 = vector.broadcast %broadcast_in_dim3A_147 : i32 to vector<16xi32>
      %gather3A_149 = tpu.vector_load_idx %arg12[%add3A_31, %broadcast_in_dim3A_148] : memref<512x32xf32, #tpu.memory_space<vmem>>[vector<16xi32>, vector<16xi32>], vector<16xf32>,
      %gather3A_150 = tpu.vector_load_idx %arg13[%add3A_31, %broadcast_in_dim3A_148] : memref<512x32xf32, #tpu.memory_space<vmem>>[vector<16xi32>, vector<16xi32>], vector<16xf32>,
      %add3A_151 = arith.addf %gather3A_149, %get3A_33 : vector<16xf32>
      %add3A_152 = arith.addf %gather3A_150, %get3A_35 : vector<16xf32>
      %mul3A_153 = arith.mulf %add3A_151, %add3A_152 : vector<16xf32>
      %add3A_154 = arith.addf %add3A_146, %mul3A_153 : vector<16xf32>
      %broadcast_in_dim3A_155 = arith.constant 15 : i32
      %broadcast_in_dim3A_156 = vector.broadcast %broadcast_in_dim3A_155 : i32 to vector<16xi32>
      %gather3A_157 = tpu.vector_load_idx %arg12[%add3A_31, %broadcast_in_dim3A_156] : memref<512x32xf32, #tpu.memory_space<vmem>>[vector<16xi32>, vector<16xi32>], vector<16xf32>,
      %gather3A_158 = tpu.vector_load_idx %arg13[%add3A_31, %broadcast_in_dim3A_156] : memref<512x32xf32, #tpu.memory_space<vmem>>[vector<16xi32>, vector<16xi32>], vector<16xf32>,
      %add3A_159 = arith.addf %gather3A_157, %get3A_33 : vector<16xf32>
      %add3A_160 = arith.addf %gather3A_158, %get3A_35 : vector<16xf32>
      %mul3A_161 = arith.mulf %add3A_159, %add3A_160 : vector<16xf32>
      %add3A_162 = arith.addf %add3A_154, %mul3A_161 : vector<16xf32>
      %broadcast_in_dim3A_163 = arith.constant 16 : i32
      %broadcast_in_dim3A_164 = vector.broadcast %broadcast_in_dim3A_163 : i32 to vector<16xi32>
      %gather3A_165 = tpu.vector_load_idx %arg12[%add3A_31, %broadcast_in_dim3A_164] : memref<512x32xf32, #tpu.memory_space<vmem>>[vector<16xi32>, vector<16xi32>], vector<16xf32>,
      %gather3A_166 = tpu.vector_load_idx %arg13[%add3A_31, %broadcast_in_dim3A_164] : memref<512x32xf32, #tpu.memory_space<vmem>>[vector<16xi32>, vector<16xi32>], vector<16xf32>,
      %add3A_167 = arith.addf %gather3A_165, %get3A_33 : vector<16xf32>
      %add3A_168 = arith.addf %gather3A_166, %get3A_35 : vector<16xf32>
      %mul3A_169 = arith.mulf %add3A_167, %add3A_168 : vector<16xf32>
      %add3A_170 = arith.addf %add3A_162, %mul3A_169 : vector<16xf32>
      %broadcast_in_dim3A_171 = arith.constant 17 : i32
      %broadcast_in_dim3A_172 = vector.broadcast %broadcast_in_dim3A_171 : i32 to vector<16xi32>
      %gather3A_173 = tpu.vector_load_idx %arg12[%add3A_31, %broadcast_in_dim3A_172] : memref<512x32xf32, #tpu.memory_space<vmem>>[vector<16xi32>, vector<16xi32>], vector<16xf32>,
      %gather3A_174 = tpu.vector_load_idx %arg13[%add3A_31, %broadcast_in_dim3A_172] : memref<512x32xf32, #tpu.memory_space<vmem>>[vector<16xi32>, vector<16xi32>], vector<16xf32>,
      %add3A_175 = arith.addf %gather3A_173, %get3A_33 : vector<16xf32>
      %add3A_176 = arith.addf %gather3A_174, %get3A_35 : vector<16xf32>
      %mul3A_177 = arith.mulf %add3A_175, %add3A_176 : vector<16xf32>
      %add3A_178 = arith.addf %add3A_170, %mul3A_177 : vector<16xf32>
      %broadcast_in_dim3A_179 = arith.constant 18 : i32
      %broadcast_in_dim3A_180 = vector.broadcast %broadcast_in_dim3A_179 : i32 to vector<16xi32>
      %gather3A_181 = tpu.vector_load_idx %arg12[%add3A_31, %broadcast_in_dim3A_180] : memref<512x32xf32, #tpu.memory_space<vmem>>[vector<16xi32>, vector<16xi32>], vector<16xf32>,
      %gather3A_182 = tpu.vector_load_idx %arg13[%add3A_31, %broadcast_in_dim3A_180] : memref<512x32xf32, #tpu.memory_space<vmem>>[vector<16xi32>, vector<16xi32>], vector<16xf32>,
      %add3A_183 = arith.addf %gather3A_181, %get3A_33 : vector<16xf32>
      %add3A_184 = arith.addf %gather3A_182, %get3A_35 : vector<16xf32>
      %mul3A_185 = arith.mulf %add3A_183, %add3A_184 : vector<16xf32>
      %add3A_186 = arith.addf %add3A_178, %mul3A_185 : vector<16xf32>
      %broadcast_in_dim3A_187 = arith.constant 19 : i32
      %broadcast_in_dim3A_188 = vector.broadcast %broadcast_in_dim3A_187 : i32 to vector<16xi32>
      %gather3A_189 = tpu.vector_load_idx %arg12[%add3A_31, %broadcast_in_dim3A_188] : memref<512x32xf32, #tpu.memory_space<vmem>>[vector<16xi32>, vector<16xi32>], vector<16xf32>,
      %gather3A_190 = tpu.vector_load_idx %arg13[%add3A_31, %broadcast_in_dim3A_188] : memref<512x32xf32, #tpu.memory_space<vmem>>[vector<16xi32>, vector<16xi32>], vector<16xf32>,
      %add3A_191 = arith.addf %gather3A_189, %get3A_33 : vector<16xf32>
      %add3A_192 = arith.addf %gather3A_190, %get3A_35 : vector<16xf32>
      %mul3A_193 = arith.mulf %add3A_191, %add3A_192 : vector<16xf32>
      %add3A_194 = arith.addf %add3A_186, %mul3A_193 : vector<16xf32>
      %broadcast_in_dim3A_195 = arith.constant 20 : i32
      %broadcast_in_dim3A_196 = vector.broadcast %broadcast_in_dim3A_195 : i32 to vector<16xi32>
      %gather3A_197 = tpu.vector_load_idx %arg12[%add3A_31, %broadcast_in_dim3A_196] : memref<512x32xf32, #tpu.memory_space<vmem>>[vector<16xi32>, vector<16xi32>], vector<16xf32>,
      %gather3A_198 = tpu.vector_load_idx %arg13[%add3A_31, %broadcast_in_dim3A_196] : memref<512x32xf32, #tpu.memory_space<vmem>>[vector<16xi32>, vector<16xi32>], vector<16xf32>,
      %add3A_199 = arith.addf %gather3A_197, %get3A_33 : vector<16xf32>
      %add3A_200 = arith.addf %gather3A_198, %get3A_35 : vector<16xf32>
      %mul3A_201 = arith.mulf %add3A_199, %add3A_200 : vector<16xf32>
      %add3A_202 = arith.addf %add3A_194, %mul3A_201 : vector<16xf32>
      %broadcast_in_dim3A_203 = arith.constant 21 : i32
      %broadcast_in_dim3A_204 = vector.broadcast %broadcast_in_dim3A_203 : i32 to vector<16xi32>
      %gather3A_205 = tpu.vector_load_idx %arg12[%add3A_31, %broadcast_in_dim3A_204] : memref<512x32xf32, #tpu.memory_space<vmem>>[vector<16xi32>, vector<16xi32>], vector<16xf32>,
      %gather3A_206 = tpu.vector_load_idx %arg13[%add3A_31, %broadcast_in_dim3A_204] : memref<512x32xf32, #tpu.memory_space<vmem>>[vector<16xi32>, vector<16xi32>], vector<16xf32>,
      %add3A_207 = arith.addf %gather3A_205, %get3A_33 : vector<16xf32>
      %add3A_208 = arith.addf %gather3A_206, %get3A_35 : vector<16xf32>
      %mul3A_209 = arith.mulf %add3A_207, %add3A_208 : vector<16xf32>
      %add3A_210 = arith.addf %add3A_202, %mul3A_209 : vector<16xf32>
      %broadcast_in_dim3A_211 = arith.constant 22 : i32
      %broadcast_in_dim3A_212 = vector.broadcast %broadcast_in_dim3A_211 : i32 to vector<16xi32>
      %gather3A_213 = tpu.vector_load_idx %arg12[%add3A_31, %broadcast_in_dim3A_212] : memref<512x32xf32, #tpu.memory_space<vmem>>[vector<16xi32>, vector<16xi32>], vector<16xf32>,
      %gather3A_214 = tpu.vector_load_idx %arg13[%add3A_31, %broadcast_in_dim3A_212] : memref<512x32xf32, #tpu.memory_space<vmem>>[vector<16xi32>, vector<16xi32>], vector<16xf32>,
      %add3A_215 = arith.addf %gather3A_213, %get3A_33 : vector<16xf32>
      %add3A_216 = arith.addf %gather3A_214, %get3A_35 : vector<16xf32>
      %mul3A_217 = arith.mulf %add3A_215, %add3A_216 : vector<16xf32>
      %add3A_218 = arith.addf %add3A_210, %mul3A_217 : vector<16xf32>
      %broadcast_in_dim3A_219 = arith.constant 23 : i32
      %broadcast_in_dim3A_220 = vector.broadcast %broadcast_in_dim3A_219 : i32 to vector<16xi32>
      %gather3A_221 = tpu.vector_load_idx %arg12[%add3A_31, %broadcast_in_dim3A_220] : memref<512x32xf32, #tpu.memory_space<vmem>>[vector<16xi32>, vector<16xi32>], vector<16xf32>,
      %gather3A_222 = tpu.vector_load_idx %arg13[%add3A_31, %broadcast_in_dim3A_220] : memref<512x32xf32, #tpu.memory_space<vmem>>[vector<16xi32>, vector<16xi32>], vector<16xf32>,
      %add3A_223 = arith.addf %gather3A_221, %get3A_33 : vector<16xf32>
      %add3A_224 = arith.addf %gather3A_222, %get3A_35 : vector<16xf32>
      %mul3A_225 = arith.mulf %add3A_223, %add3A_224 : vector<16xf32>
      %add3A_226 = arith.addf %add3A_218, %mul3A_225 : vector<16xf32>
      %broadcast_in_dim3A_227 = arith.constant 24 : i32
      %broadcast_in_dim3A_228 = vector.broadcast %broadcast_in_dim3A_227 : i32 to vector<16xi32>
      %gather3A_229 = tpu.vector_load_idx %arg12[%add3A_31, %broadcast_in_dim3A_228] : memref<512x32xf32, #tpu.memory_space<vmem>>[vector<16xi32>, vector<16xi32>], vector<16xf32>,
      %gather3A_230 = tpu.vector_load_idx %arg13[%add3A_31, %broadcast_in_dim3A_228] : memref<512x32xf32, #tpu.memory_space<vmem>>[vector<16xi32>, vector<16xi32>], vector<16xf32>,
      %add3A_231 = arith.addf %gather3A_229, %get3A_33 : vector<16xf32>
      %add3A_232 = arith.addf %gather3A_230, %get3A_35 : vector<16xf32>
      %mul3A_233 = arith.mulf %add3A_231, %add3A_232 : vector<16xf32>
      %add3A_234 = arith.addf %add3A_226, %mul3A_233 : vector<16xf32>
      %broadcast_in_dim3A_235 = arith.constant 25 : i32
      %broadcast_in_dim3A_236 = vector.broadcast %broadcast_in_dim3A_235 : i32 to vector<16xi32>
      %gather3A_237 = tpu.vector_load_idx %arg12[%add3A_31, %broadcast_in_dim3A_236] : memref<512x32xf32, #tpu.memory_space<vmem>>[vector<16xi32>, vector<16xi32>], vector<16xf32>,
      %gather3A_238 = tpu.vector_load_idx %arg13[%add3A_31, %broadcast_in_dim3A_236] : memref<512x32xf32, #tpu.memory_space<vmem>>[vector<16xi32>, vector<16xi32>], vector<16xf32>,
      %add3A_239 = arith.addf %gather3A_237, %get3A_33 : vector<16xf32>
      %add3A_240 = arith.addf %gather3A_238, %get3A_35 : vector<16xf32>
      %mul3A_241 = arith.mulf %add3A_239, %add3A_240 : vector<16xf32>
      %add3A_242 = arith.addf %add3A_234, %mul3A_241 : vector<16xf32>
      %broadcast_in_dim3A_243 = arith.constant 26 : i32
      %broadcast_in_dim3A_244 = vector.broadcast %broadcast_in_dim3A_243 : i32 to vector<16xi32>
      %gather3A_245 = tpu.vector_load_idx %arg12[%add3A_31, %broadcast_in_dim3A_244] : memref<512x32xf32, #tpu.memory_space<vmem>>[vector<16xi32>, vector<16xi32>], vector<16xf32>,
      %gather3A_246 = tpu.vector_load_idx %arg13[%add3A_31, %broadcast_in_dim3A_244] : memref<512x32xf32, #tpu.memory_space<vmem>>[vector<16xi32>, vector<16xi32>], vector<16xf32>,
      %add3A_247 = arith.addf %gather3A_245, %get3A_33 : vector<16xf32>
      %add3A_248 = arith.addf %gather3A_246, %get3A_35 : vector<16xf32>
      %mul3A_249 = arith.mulf %add3A_247, %add3A_248 : vector<16xf32>
      %add3A_250 = arith.addf %add3A_242, %mul3A_249 : vector<16xf32>
      %broadcast_in_dim3A_251 = arith.constant 27 : i32
      %broadcast_in_dim3A_252 = vector.broadcast %broadcast_in_dim3A_251 : i32 to vector<16xi32>
      %gather3A_253 = tpu.vector_load_idx %arg12[%add3A_31, %broadcast_in_dim3A_252] : memref<512x32xf32, #tpu.memory_space<vmem>>[vector<16xi32>, vector<16xi32>], vector<16xf32>,
      %gather3A_254 = tpu.vector_load_idx %arg13[%add3A_31, %broadcast_in_dim3A_252] : memref<512x32xf32, #tpu.memory_space<vmem>>[vector<16xi32>, vector<16xi32>], vector<16xf32>,
      %add3A_255 = arith.addf %gather3A_253, %get3A_33 : vector<16xf32>
      %add3A_256 = arith.addf %gather3A_254, %get3A_35 : vector<16xf32>
      %mul3A_257 = arith.mulf %add3A_255, %add3A_256 : vector<16xf32>
      %add3A_258 = arith.addf %add3A_250, %mul3A_257 : vector<16xf32>
      %broadcast_in_dim3A_259 = arith.constant 28 : i32
      %broadcast_in_dim3A_260 = vector.broadcast %broadcast_in_dim3A_259 : i32 to vector<16xi32>
      %gather3A_261 = tpu.vector_load_idx %arg12[%add3A_31, %broadcast_in_dim3A_260] : memref<512x32xf32, #tpu.memory_space<vmem>>[vector<16xi32>, vector<16xi32>], vector<16xf32>,
      %gather3A_262 = tpu.vector_load_idx %arg13[%add3A_31, %broadcast_in_dim3A_260] : memref<512x32xf32, #tpu.memory_space<vmem>>[vector<16xi32>, vector<16xi32>], vector<16xf32>,
      %add3A_263 = arith.addf %gather3A_261, %get3A_33 : vector<16xf32>
      %add3A_264 = arith.addf %gather3A_262, %get3A_35 : vector<16xf32>
      %mul3A_265 = arith.mulf %add3A_263, %add3A_264 : vector<16xf32>
      %add3A_266 = arith.addf %add3A_258, %mul3A_265 : vector<16xf32>
      %broadcast_in_dim3A_267 = arith.constant 29 : i32
      %broadcast_in_dim3A_268 = vector.broadcast %broadcast_in_dim3A_267 : i32 to vector<16xi32>
      %gather3A_269 = tpu.vector_load_idx %arg12[%add3A_31, %broadcast_in_dim3A_268] : memref<512x32xf32, #tpu.memory_space<vmem>>[vector<16xi32>, vector<16xi32>], vector<16xf32>,
      %gather3A_270 = tpu.vector_load_idx %arg13[%add3A_31, %broadcast_in_dim3A_268] : memref<512x32xf32, #tpu.memory_space<vmem>>[vector<16xi32>, vector<16xi32>], vector<16xf32>,
      %add3A_271 = arith.addf %gather3A_269, %get3A_33 : vector<16xf32>
      %add3A_272 = arith.addf %gather3A_270, %get3A_35 : vector<16xf32>
      %mul3A_273 = arith.mulf %add3A_271, %add3A_272 : vector<16xf32>
      %add3A_274 = arith.addf %add3A_266, %mul3A_273 : vector<16xf32>
      %broadcast_in_dim3A_275 = arith.constant 30 : i32
      %broadcast_in_dim3A_276 = vector.broadcast %broadcast_in_dim3A_275 : i32 to vector<16xi32>
      %gather3A_277 = tpu.vector_load_idx %arg12[%add3A_31, %broadcast_in_dim3A_276] : memref<512x32xf32, #tpu.memory_space<vmem>>[vector<16xi32>, vector<16xi32>], vector<16xf32>,
      %gather3A_278 = tpu.vector_load_idx %arg13[%add3A_31, %broadcast_in_dim3A_276] : memref<512x32xf32, #tpu.memory_space<vmem>>[vector<16xi32>, vector<16xi32>], vector<16xf32>,
      %add3A_279 = arith.addf %gather3A_277, %get3A_33 : vector<16xf32>
      %add3A_280 = arith.addf %gather3A_278, %get3A_35 : vector<16xf32>
      %mul3A_281 = arith.mulf %add3A_279, %add3A_280 : vector<16xf32>
      %add3A_282 = arith.addf %add3A_274, %mul3A_281 : vector<16xf32>
      %broadcast_in_dim3A_283 = arith.constant 31 : i32
      %broadcast_in_dim3A_284 = vector.broadcast %broadcast_in_dim3A_283 : i32 to vector<16xi32>
      %gather3A_285 = tpu.vector_load_idx %arg12[%add3A_31, %broadcast_in_dim3A_284] : memref<512x32xf32, #tpu.memory_space<vmem>>[vector<16xi32>, vector<16xi32>], vector<16xf32>,
      %gather3A_286 = tpu.vector_load_idx %arg13[%add3A_31, %broadcast_in_dim3A_284] : memref<512x32xf32, #tpu.memory_space<vmem>>[vector<16xi32>, vector<16xi32>], vector<16xf32>,
      %add3A_287 = arith.addf %gather3A_285, %get3A_33 : vector<16xf32>
      %add3A_288 = arith.addf %gather3A_286, %get3A_35 : vector<16xf32>
      %mul3A_289 = arith.mulf %add3A_287, %add3A_288 : vector<16xf32>
      %add3A_290 = arith.addf %add3A_282, %mul3A_289 : vector<16xf32>
      %swap3A = arith.index_cast %mul3A_29 : i32 to index
      %swap3A_291 = tpu.vector_load %arg17[%swap3A] {strides = array<i32>} : memref<512xf32, #tpu.memory_space<vmem>>, vector<16xf32>,
      tpu.vector_store %arg17[%swap3A], %add3A_290 {strides = array<i32>} : memref<512xf32, #tpu.memory_space<vmem>>, vector<16xf32>,
    }
    %scan3A_26 = arith.constant 32 : i32
    "tpu.region"() ({
      %run_scoped3A = tpu.sem_alloc : memref<!tpu.dma_semaphore, #tpu.memory_space<semaphore_mem>>
      %dma_start3A_27 = tpu.memref_slice %arg9[%mul3A_2] : memref<16384xf32, #tpu.memory_space<hbm>> -> memref<512xf32, #tpu.memory_space<hbm>>
      %dma_start3A_28 = tpu.memref_slice %arg9[%mul3A_2] : memref<16384xf32, #tpu.memory_space<hbm>> -> memref<512xf32, #tpu.memory_space<hbm>>
      tpu.enqueue_dma source(%arg17 : memref<512xf32, #tpu.memory_space<vmem>>) target(%dma_start3A_28 : memref<512xf32, #tpu.memory_space<hbm>>) target_semaphore(%run_scoped3A : memref<!tpu.dma_semaphore, #tpu.memory_space<semaphore_mem>>)
      %dma_wait3A_29 = tpu.memref_slice %arg9[%mul3A_2] : memref<16384xf32, #tpu.memory_space<hbm>> -> memref<512xf32, #tpu.memory_space<hbm>>
      %dma_wait3A_30 = tpu.memref_slice %arg9[%mul3A_2] : memref<16384xf32, #tpu.memory_space<hbm>> -> memref<512xf32, #tpu.memory_space<hbm>>
      tpu.wait_dma2 semaphore(%run_scoped3A : memref<!tpu.dma_semaphore, #tpu.memory_space<semaphore_mem>>) src(%arg17 : memref<512xf32, #tpu.memory_space<vmem>>) dst(%dma_wait3A_30 : memref<512xf32, #tpu.memory_space<hbm>>)
      tpu.yield
    }) : () -> ()
    return
  }
}

</mosaic_0001>

<sc_bundles>
// kernel: _mf_sc.3.cloned.1.call-start
scs
__scs_entry_jumppad:
0x0: {  	(pc) =	sbr.rel $0x88, $3  }
0x1: {  	(tag) =	ssettag $0x0;
	lr =	simm.s32 $0x1  }
0x2: {  	[smem:$0x3F9A] =	sst lr;
	_ =	strace $0xD0000000  }
0x3: {  	_ = 	snop  }
0x4: {  	_ = 	snop  }
0x5: {  	_ = 	snop  }
0x6: {  	_ = 	snop  }
0x7: {  	_ = 	snop  }
__scs_overlays_trampoline_lowered:
0x8: {  	[smem:$0x3FA9] =	sst s0  }
0x9: {  	[smem:$0x3FAA] =	sst s1  }
0xa: {  	[smem:$0x3FAB] =	sst s2  }
0xb: {  	[smem:$0x3FAC] =	sst s3  }
0xc: {  	[smem:$0x3FAD] =	sst s4  }
0xd: {  	[smem:$0x3FAE] =	sst s5  }
0xe: {  	[smem:$0x3FAF] =	sst s6  }
0xf: {  	[smem:$0x3FB0] =	sst s7  }
0x10: {  	[smem:$0x3FB1] =	sst s8  }
0x11: {  	[smem:$0x3FB2] =	sst s9;
	s0 =	simm.s32 @!p0 $0x0  }
0x12: {  	s1 =	sld [smem:$0x3F98];
	s0 =	simm.s32 @p0 $0x1  }
0x13: {  	[smem:$0x3FB3] =	sst s0;
	s0 =	simm.s32 @!p1 $0x0  }
0x14: {  	s2 =	sld [smem:$0x3F97];
	s0 =	simm.s32 @p1 $0x1  }
0x15: {  	[smem:$0x3FB4] =	sst s0;
	s0 =	simm.s32 @!p2 $0x0  }
0x16: {  	s3 =	sld [smem:$0x3FDB];
	s0 =	simm.s32 @p2 $0x1  }
0x17: {  	s4 =	simm.s32 $0x1BF5;
	[smem:$0x3FB6] =	sst s0  }
0x18: {  	s0 =	sld [smem:$0x3F99];
	_ =	swait.ge [sflag:s4], $0x0  }
0x19: {  	s7 =	sld [smem:$0x3F9A]  }
0x1a: {  	s8 =	sadd.s32 $0xFFFFE003, lr  }
0x1b: {  	s9 =	sadd.s32 $0xFFFFFEF7, lr;
	s5 =	simm.s32 $0xFFFFFFFF;
	p2 =	slt.u32 s8, $0xFFFFF086  }
0x1c: {  	p1 =	slt.u32 s9, $0xF7A;
	s5 =	simm.s32 @!p2 $0x0  }
0x1d: {  	s5 =	simm.s32 @p1 $0x1;
	p0 =	seq.s32 s7, s2  }
0x1e: {  	s7 =	smul.u32 @!p0 $0xF7A, s2;
	p2 =	seq.s32 @!p0 s5, $0x0  }
0x1f: {  	s9 =	smul.u32 $0xF7A, s1;
	s8 =	simm.s32 @!p0 $0x1BF5;
	p2 =	por !p2, p0  }
0x20: {  	[sflag:s8] =	ssyncset.s32 @!p0 $0xFFFFF086;
	s6 =	sadd.s32 @!p0 s3, s7;
	s7 =	simm.s32 @!p0 $0x108  }
0x21: {  	s3 =	sadd.s32 s3, s9;
	s6 =	sadd.s32 @!p0 $0x88, s6;
	s7 =	simm.s32 @p2 $0x1082  }
0x22: {  	[simem:s7], [sflag:s8] =	dma.local @!p0 [hbm:s6], $0xF7A  }
0x23: {  	s9 =	sor.u32 $0xD0000000, s2;
	s6 =	simm.s32 $0x108;
	_ =	swait.ge @!p0 [sflag:s8], $0x0  }
0x24: {  	s3 =	sadd.s32 $0x88, s3;
	s6 =	simm.s32 @!p1 $0x1082;
	[sflag:s4] =	ssyncset.s32 $0xFFFFF086  }
0x25: {  	[simem:s6], [sflag:s4] =	dma.local [hbm:s3], $0xF7A  }
0x26: {  	[smem:$0x3F9A] =	sst s1;
	(tag) =	ssettag s2;
	_ =	strace s9  }
0x27: {  	s1 =	sld [smem:$0x3FAA]  }
0x28: {  	s2 =	sld [smem:$0x3FAB]  }
0x29: {  	s4 =	sld [smem:$0x3FAD]  }
0x2a: {  	p0 =	seq.s32 s5, $0x0;
	s5 =	sld [smem:$0x3FAE]  }
0x2b: {  	s6 =	sld [smem:$0x3FAF]  }
0x2c: {  	s7 =	sld [smem:$0x3FB0]  }
0x2d: {  	s3 =	simm.s32 $0x108;
	s8 =	sld [smem:$0x3FB1]  }
0x2e: {  	s3 =	simm.s32 @!p0 $0x1082;
	s9 =	sld [smem:$0x3FB2]  }
0x2f: {  	lr =	sadd.s32 s0, s3;
	s0 =	sld [smem:$0x3FA9]  }
0x30: {  	s3 =	sld [smem:$0x3FAC]  }
0x31: {  	[smem:$0x3FB5] =	sst s10  }
0x32: {  	s10 =	sld [smem:$0x3FB3];
	_ =	sdelay $0x3  }
0x33: {  	p0 =	seq.s32 s10, $0x1;
	s10 =	sld [smem:$0x3FB5];
	_ =	sdelay $0x3  }
0x34: {  	[smem:$0x3FB5] =	sst s10  }
0x35: {  	s10 =	sld [smem:$0x3FB4];
	_ =	sdelay $0x3  }
0x36: {  	p1 =	seq.s32 s10, $0x1;
	s10 =	sld [smem:$0x3FB5];
	_ =	sdelay $0x3  }
0x37: {  	[smem:$0x3FB5] =	sst s10  }
0x38: {  	s10 =	sld [smem:$0x3FB6]  }
0x39: {  	_ = 	snop;
	(pc) =	sbr.ind lr, $3  }
0x3a: {  	_ = 	snop  }
0x3b: {  	_ = 	snop  }
0x3c: {  	p2 =	seq.s32 s10, $0x1;
	s10 =	sld [smem:$0x3FB5]  }
0x3d: {  	_ =	shalt  }
0x3e: {  	_ =	shalt  }
0x3f: {  	_ =	shalt  }
0x40: {  	_ =	shalt  }
0x41: {  	_ =	shalt  }
0x42: {  	_ =	shalt  }
0x43: {  	_ =	shalt  }
0x44: {  	_ =	shalt  }
0x45: {  	_ =	shalt  }
0x46: {  	_ =	shalt  }
0x47: {  	_ =	shalt  }
0x48: {  	_ =	shalt  }
0x49: {  	_ =	shalt  }
0x4a: {  	_ =	shalt  }
0x4b: {  	_ =	shalt  }
0x4c: {  	_ =	shalt  }
0x4d: {  	_ =	shalt  }
0x4e: {  	_ =	shalt  }
0x4f: {  	_ =	shalt  }
0x50: {  	_ =	shalt  }
0x51: {  	_ =	shalt  }
0x52: {  	_ =	shalt  }
0x53: {  	_ =	shalt  }
0x54: {  	_ =	shalt  }
0x55: {  	_ =	shalt  }
0x56: {  	_ =	shalt  }
0x57: {  	_ =	shalt  }
0x58: {  	_ =	shalt  }
0x59: {  	_ =	shalt  }
0x5a: {  	_ =	shalt  }
0x5b: {  	_ =	shalt  }
0x5c: {  	_ =	shalt  }
0x5d: {  	_ =	shalt  }
0x5e: {  	_ =	shalt  }
0x5f: {  	_ =	shalt  }
0x60: {  	_ =	shalt  }
0x61: {  	_ =	shalt  }
0x62: {  	_ =	shalt  }
0x63: {  	_ =	shalt  }
0x64: {  	_ =	shalt  }
0x65: {  	_ =	shalt  }
0x66: {  	_ =	shalt  }
0x67: {  	_ =	shalt  }
0x68: {  	_ =	shalt  }
0x69: {  	_ =	shalt  }
0x6a: {  	_ =	shalt  }
0x6b: {  	_ =	shalt  }
0x6c: {  	_ =	shalt  }
0x6d: {  	_ =	shalt  }
0x6e: {  	_ =	shalt  }
0x6f: {  	_ =	shalt  }
0x70: {  	_ =	shalt  }
0x71: {  	_ =	shalt  }
0x72: {  	_ =	shalt  }
0x73: {  	_ =	shalt  }
0x74: {  	_ =	shalt  }
0x75: {  	_ =	shalt  }
0x76: {  	_ =	shalt  }
0x77: {  	_ =	shalt  }
0x78: {  	_ =	shalt  }
0x79: {  	_ =	shalt  }
0x7a: {  	_ =	shalt  }
0x7b: {  	_ =	shalt  }
0x7c: {  	_ =	shalt  }
0x7d: {  	_ =	shalt  }
0x7e: {  	_ =	shalt  }
0x7f: {  	_ =	shalt  }
0x80: {  	_ =	shalt  }
0x81: {  	_ =	shalt  }
0x82: {  	_ =	shalt  }
0x83: {  	_ =	shalt  }
0x84: {  	_ =	shalt  }
0x85: {  	_ =	shalt  }
0x86: {  	_ =	shalt  }
0x87: {  	_ =	shalt  }
.Lfunc_end0:
.L_simem_size_0:
called_computation_lowered:
.L_overlay_start_0:
0x88: {  	s2 =	sld [smem:$0x3FD9]  }
0x89: {  	s3 =	sld [smem:$0x3FFE];
	_ =	sdelay $0x1  }
0x8a: {  	s1 =	srdreg.scid  }
0x8b: {  	s0 =	sand.u32 $0x1, s1  }
0x8c: {  	s17 =	sshll.u32 s0, $0xA;
	s2 =	sadd.s32 s3, s2  }
0x8d: {  	s2 =	sadd.s32 s2, s17  }
0x8e: {  	[smem:$0x3FC1] =	sst s2  }
0x8f: {  	_ = 	snop  }
0x90: {  	s2 =	sld [smem:$0x3FC9]  }
0x91: {  	s18 =	sld [smem:$0x3FC8]  }
0x92: {  	s4 =	sld [smem:$0x3FC5]  }
0x93: {  	s5 =	sld [smem:$0x3FC4]  }
0x94: {  	s6 =	sld [smem:$0x3FC3]  }
0x95: {  	s7 =	sld [smem:$0x3FD0];
	(tm) =	ssettm $0x1  }
0x96: {  	s8 =	sld [smem:$0x3FFB];
	_ =	sdelay $0x3  }
0x97: {  	_ =	strace s8  }
0x98: {  	s8 =	sld [smem:$0x3FFC];
	_ =	sdelay $0x3  }
0x99: {  	_ =	strace s8  }
0x9a: {  	s8 =	sld [smem:$0x3FFD];
	_ =	sdelay $0x3  }
0x9b: {  	_ =	strace s8  }
0x9c: {  	_ =	strace $0x8FFFFFFF  }
0x9d: {  	s19 =	sld [smem:$0x3FDB];
	_ =	sdelay $0x1  }
0x9e: {  	s9 =	simm.s32 $_scs_section_size  }
0x9f: {  	s10 =	simm.s32 $_size__tile_overlayer_lowered;
	s11 =	simm.s32 $_tile_overlayer_lowered  }
0xa0: {  	s22 =	simm.s32 $0x1BFF;
	s21 =	sshll.u32 s11, $0x1;
	s8 =	sadd.s32 s9, s19  }
0xa1: {  	s12 =	simm.s32 $0x0;
	s20 =	sshll.u32 s10, $0x1;
	s10 =	sadd.s32 s21, s8  }
0xa2: {  	[timem:s12], [sflag:s22] =	dma.local [hbm:s10], s20  }
0xa3: {  	_ =	swait.ge [sflag:s22], s20  }
0xa4: {  	s9 =	ssub.s32 $0x0, s20;
	[sflag:s22] =	ssyncset.done $0x0  }
0xa5: {  	[sflag:s22] =	ssyncadd.s32 s9;
	_ =	sdelay $0x1  }
0xa6: {  	s23 =	simm.s32 $0x1B8B  }
0xa7: {  	_ =	swait.ge [sflag:s23], $0x1  }
0xa8: {  	[sflag:s23] =	ssyncset.done $0x0  }
0xa9: {  	s25 =	simm.s32 $0x1B8E;
	s24 =	sld [smem:$0x3FFE];
	[sflag:s23] =	ssyncadd.s32 $0xFFFFFFFF  }
0xaa: {  	s26 =	simm.s32 $execute0_lowered;
	[smem:$0x3FD2] =	sst s25  }
0xab: {  	s10 =	sshll.u32 s26, $0x1;
	_ =	strace $0x80000046;
	[dreg:$0x1] =	wrdreg $0xFFFFFFFF  }
0xac: {  	s28 =	simm.s32 $_size_execute0_lowered;
	s8 =	sadd.s32 s8, s10;
	[dreg:$0x0] =	wrdreg $0x0  }
0xad: {  	s10 =	sshll.u32 s28, $0x1;
	[dreg:$0x2] =	wrdreg s8  }
0xae: {  	[dreg:$0x3] =	wrdreg s10  }
0xaf: {  	[dreg:$0x4] =	wrdreg $0xC0  }
0xb0: {  	_ =	task [dreg:s12], $0x5FFFF  }
0xb1: {  	[dreg:$0x1] =	wrdreg $0xFFFFFFFF  }
0xb2: {  	[dreg:$0x0] =	wrdreg $0x60  }
0xb3: {  	[dreg:$0x2] =	wrdreg s2  }
0xb4: {  	[dreg:$0x3] =	wrdreg s18  }
0xb5: {  	[dreg:$0x4] =	wrdreg s24  }
0xb6: {  	[dreg:$0x5] =	wrdreg s4  }
0xb7: {  	[dreg:$0x6] =	wrdreg s5  }
0xb8: {  	[dreg:$0x7] =	wrdreg s6  }
0xb9: {  	[dreg:$0x8] =	wrdreg s7  }
0xba: {  	[dreg:$0x9] =	wrdreg $0x9  }
0xbb: {  	_ =	task.clear_ibuf [dreg:s12], $0xAFFFF;
	_ =	strace $0x90000046  }
0xbc: {  	s29 =	simm.s32 $0x9;
	_ =	strace $0x80000048  }
0xbd: {  	_ =	swait.ge [sflag:s29], $0x1  }
0xbe: {  	[sflag:s29] =	ssyncadd.s32 $0xFFFFFFFF  }
0xbf: {  	_ =	strace $0x90000048  }
0xc0: {  	_ =	sfence  }
0xc1: {  	s30 =	sld [smem:$0x0];
	_ =	sdelay $0x2  }
0xc2: {  	s31 =	sshll.u32 s1, $0xD;
	s1 =	sshrl.u32 s1, $0x2  }
0xc3: {  	s3 =	sand.u32 $0x4000, s31;
	s1 =	sadd.s32 s1, s30  }
0xc4: {  	s0 =	sor.u32 s3, s0;
	s1 =	sshll.u32 s1, $0x11  }
0xc5: {  	s0 =	sor.u32 s1, s0  }
0xc6: {  	s0 =	sadd.s32 $0x8F2B, s0  }
0xc7: {  	[sflag:s0] =	ssyncadd.remote.s32 $0x1  }
0xc8: {  	_ =	sfence.sel $0xFFFF  }
0xc9: {  	[dreg:$0x0] =	wrdreg $0xFFFFFFFF;
	(pc) =	sbr.abs _section_cstart, $3  }
0xca: {  	[dreg:$0x1] =	wrdreg $0xFFFFFFFF  }
0xcb: {  	_ =	task.clear_ibuf [dreg:s12], $0x2FFFF;
	_ =	strace $0x9FFFFFFF  }
0xcc: {  	(tm) =	ssettm $0x7FFFFFFF  }
0xcd: {  	_ =	shalt  }
tec
execute0_lowered:
.L_overlay_start_1:
0x0: {  	(tag) =	ssettag $0x1  }
0x1: {  	s8 =	rddreg [dreg:$0x0]  }
0x2: {  	s9 =	rddreg [dreg:$0x1]  }
0x3: {  	s7 =	rddreg [dreg:$0x2]  }
0x4: {  	s1 =	rddreg [dreg:$0x3]  }
0x5: {  	s2 =	rddreg [dreg:$0x4]  }
0x6: {  	s3 =	rddreg [dreg:$0x5]  }
0x7: {  	s10 =	rddreg [dreg:$0x6]  }
0x8: {  	s0 =	rddreg [dreg:$0x7];
	s4 =	simm.s32 $0x0;
	s5 =	srdreg.scid  }
0x9: {  	s15 =	simm.s32 $0x400;
	s16 =	simm.s32 $0x4400;
	s17 =	simm.s32 $0x1  }
0xa: {  	s18 =	simm.s32 $0x8810;
	s19 =	simm.s32 $0x0;
	[smem:$0x7FF] =	sst s4  }
0xb: {  	s11 =	sand.u32 $0x1, s5;
	s6 =	sadd.s32 $0xF42800, s7;
	s5 =	stileid.u32  }
0xc: {  	s7 =	sadd.s32 $0x1313200, s7;
	_ =	strace $0x80000047;
	s12 =	ssub.s32 $0x2, s11  }
0xd: {  	s14 =	sshll.u32 s5, $0x7;
	s11 =	sshll.u32 s11, $0x6;
	s13 =	sshrl.u32 s12, $0x1  }
0xe: {  	s11 =	sor.u32 s11, s14;
	s14 =	simm.s32 $0x8800;
	s12 =	ssub.s32 s12, s13  }
0xf: {  	v0 =	vlaneseq.u32;
	s8 =	sadd.s32 s8, s11;
	s9 =	sadd.s32 s9, s11;
	s10 =	sadd.s32 s10, s11  }
0x10: {  	v0 =	vmul.u32 $0x20, v0;
	s13 =	simm.s32 $0x200;
	s11 =	smax.u32 s12, $0x1;
	s12 =	simm.s32 $0x2  }
.LBB2_1:
0x11: {  	[tilespmem:s4], [sflag:$0x2] =	stream.linear.gather [hbm4b:s8+s4], $0x200, $0x38;
	[tilespmem:$0x8A10] =	vst v63  }
0x12: {  	_ =	swait.ge [sflag:s12], $0x200  }
0x13: {  	[sflag:s12] =	ssyncset.done $0x0  }
0x14: {  	[sflag:s12] =	ssyncadd.s32 $0xFFFFFE00  }
0x15: {  	[tilespmem:s13], [sflag:$0x2] =	stream.linear.gather [hbm4b:s9+s4], $0x200, $0x38;
	[tilespmem:$0x8A10] =	vst v63  }
0x16: {  	_ =	swait.ge [sflag:s12], $0x200  }
0x17: {  	[sflag:s12] =	ssyncset.done $0x0  }
0x18: {  	[sflag:s12] =	ssyncadd.s32 $0xFFFFFE00  }
0x19: {  	[tilespmem:s14], [sflag:$0x2] =	stream.linear.gather [hbm4b:s3+s4], $0x10, $0x38;
	[tilespmem:$0x8A10] =	vst v63  }
0x1a: {  	_ =	swait.ge [sflag:s12], $0x10  }
0x1b: {  	[sflag:s12] =	ssyncset.done $0x0  }
0x1c: {  	[sflag:s12] =	ssyncadd.s32 $0xFFFFFFF0  }
0x1d: {  	[tilespmem:s15], [sflag:$0x1] =	stream.indirect.gather [hbm4b:s6+s13], $0x20, s4, s13, $0xb8;
	[tilespmem:$0x8A10] =	vst v63  }
0x1e: {  	_ = 	snop  }
0x1f: {  	[tilespmem:s16], [sflag:$0x1] =	stream.indirect.gather [hbm4b:s7+s13], $0x20, s13, s13, $0xb8;
	[tilespmem:$0x8A10] =	vst v63  }
0x20: {  	s20 =	simm.s32 $0x8400  }
0x21: {  	[tilespmem:s20], [sflag:$0x1] =	stream.indirect.gather [hbm4b:s1+s13], $0x1, s4, s13, $0xb8;
	[tilespmem:$0x8A10] =	vst v63  }
0x22: {  	s21 =	simm.s32 $0x8600  }
0x23: {  	[tilespmem:s21], [sflag:$0x1] =	stream.indirect.gather [hbm4b:s2+s13], $0x1, s13, s13, $0xb8;
	[tilespmem:$0x8A10] =	vst v63  }
0x24: {  	_ =	swait.ge [sflag:s17], $0x4000  }
0x25: {  	[sflag:s17] =	ssyncset.done $0x0  }
0x26: {  	[sflag:s17] =	ssyncadd.s32 $0xFFFFC000  }
0x27: {  	_ =	swait.ge [sflag:s17], $0x4000  }
0x28: {  	[sflag:s17] =	ssyncset.done $0x0  }
0x29: {  	[sflag:s17] =	ssyncadd.s32 $0xFFFFC000  }
0x2a: {  	v1 =	vmov s4;
	_ =	swait.ge [sflag:s17], $0x200  }
0x2b: {  	v1 =	vshll.u32 v1, $0x5;
	[sflag:s17] =	ssyncset.done $0x0  }
0x2c: {  	v4 =	vor.u32 v0, v1;
	[sflag:s17] =	ssyncadd.s32 $0xFFFFFE00  }
0x2d: {  	_ =	swait.ge [sflag:s17], $0x200  }
0x2e: {  	[sflag:s17] =	ssyncset.done $0x0  }
0x2f: {  	[sflag:s17] =	ssyncadd.s32 $0xFFFFFE00  }
0x30: {  	v5 =	vor.u32 $0x1, v4;
	v1 =	vld.msk [tilespmem:$0x8800 ss:$0x0], $0xffff  }
0x31: {  	v6 =	vld.idx.msk [tilespmem:v4+s15+$0x0], $0xffff  }
0x32: {  	v7 =	vor.u32 $0x2, v4;
	v8 =	vld.idx.msk [tilespmem:v4+s16+$0x0], $0xffff  }
0x33: {  	v3 =	vld [tilespmem:s20+$0x0]  }
0x34: {  	v9 =	vor.u32 $0x3, v4;
	v2 =	vld [tilespmem:s21+$0x0]  }
0x35: {  	v10 =	vld.idx.msk [tilespmem:v5+s15+$0x0], $0xffff  }
0x36: {  	v11 =	vor.u32 $0x4, v4;
	v5 =	vld.idx.msk [tilespmem:v5+s16+$0x0], $0xffff  }
0x37: {  	v12 =	vld.idx.msk [tilespmem:v7+s15+$0x0], $0xffff  }
0x38: {  	v13 =	vor.u32 $0x5, v4;
	v7 =	vld.idx.msk [tilespmem:v7+s16+$0x0], $0xffff  }
0x39: {  	v14 =	vld.idx.msk [tilespmem:v9+s15+$0x0], $0xffff;
	v6 =	vadd.f32 v6, v3;
	v8 =	vadd.f32 v8, v2  }
0x3a: {  	v15 =	vor.u32 $0x6, v4;
	v9 =	vld.idx.msk [tilespmem:v9+s16+$0x0], $0xffff  }
0x3b: {  	v16 =	vld.idx.msk [tilespmem:v11+s15+$0x0], $0xffff;
	v60 =	vadd.f32 v10, v3;
	v5 =	vadd.f32 v5, v2;
	v6 =	vmul.f32 v8, v6  }
0x3c: {  	v61 =	vor.u32 $0x7, v4;
	v11 =	vld.idx.msk [tilespmem:v11+s16+$0x0], $0xffff;
	v12 =	vadd.f32 v12, v3  }
0x3d: {  	v17 =	vld.idx.msk [tilespmem:v13+s15+$0x0], $0xffff;
	v7 =	vadd.f32 v7, v2;
	v5 =	vmul.f32 v5, v60;
	v6 =	vadd.f32 v6, v1  }
0x3e: {  	v62 =	vor.u32 $0x8, v4;
	v13 =	vld.idx.msk [tilespmem:v13+s16+$0x0], $0xffff;
	v14 =	vadd.f32 v14, v3  }
0x3f: {  	v18 =	vld.idx.msk [tilespmem:v15+s15+$0x0], $0xffff;
	v5 =	vadd.f32 v5, v6;
	v6 =	vmul.f32 v7, v12;
	v7 =	vadd.f32 v9, v2  }
0x40: {  	v63 =	vor.u32 $0x9, v4;
	v21 =	vld.idx.msk [tilespmem:v15+s16+$0x0], $0xffff;
	v22 =	vadd.f32 v16, v3  }
0x41: {  	v23 =	vld.idx.msk [tilespmem:v61+s15+$0x0], $0xffff;
	v5 =	vadd.f32 v6, v5;
	v6 =	vmul.f32 v7, v14;
	v7 =	vadd.f32 v11, v2  }
0x42: {  	v24 =	vor.u32 $0xA, v4;
	v10 =	vld.idx.msk [tilespmem:v61+s16+$0x0], $0xffff;
	v25 =	vadd.f32 v17, v3  }
0x43: {  	v26 =	vld.idx.msk [tilespmem:v62+s15+$0x0], $0xffff;
	v5 =	vadd.f32 v6, v5;
	v6 =	vmul.f32 v7, v22;
	v7 =	vadd.f32 v13, v2  }
0x44: {  	v27 =	vor.u32 $0xB, v4;
	v28 =	vadd.f32 v18, v3;
	v8 =	vld.idx.msk [tilespmem:v62+s16+$0x0], $0xffff  }
0x45: {  	v29 =	vld.idx.msk [tilespmem:v63+s15+$0x0], $0xffff;
	v5 =	vadd.f32 v6, v5;
	v6 =	vmul.f32 v7, v25;
	v7 =	vadd.f32 v21, v2  }
0x46: {  	v30 =	vor.u32 $0xC, v4;
	v31 =	vadd.f32 v23, v3;
	v9 =	vld.idx.msk [tilespmem:v63+s16+$0x0], $0xffff  }
0x47: {  	v32 =	vld.idx.msk [tilespmem:v24+s15+$0x0], $0xffff;
	v5 =	vadd.f32 v6, v5;
	v6 =	vmul.f32 v7, v28;
	v7 =	vadd.f32 v10, v2  }
0x48: {  	v33 =	vor.u32 $0xD, v4;
	v34 =	vadd.f32 v26, v3;
	v11 =	vld.idx.msk [tilespmem:v24+s16+$0x0], $0xffff  }
0x49: {  	v35 =	vld.idx.msk [tilespmem:v27+s15+$0x0], $0xffff;
	v5 =	vadd.f32 v6, v5;
	v6 =	vmul.f32 v7, v31;
	v7 =	vadd.f32 v8, v2  }
0x4a: {  	v36 =	vor.u32 $0xE, v4;
	v37 =	vadd.f32 v29, v3;
	v13 =	vld.idx.msk [tilespmem:v27+s16+$0x0], $0xffff  }
0x4b: {  	v38 =	vld.idx.msk [tilespmem:v30+s15+$0x0], $0xffff;
	v5 =	vadd.f32 v6, v5;
	v6 =	vmul.f32 v7, v34;
	v7 =	vadd.f32 v9, v2  }
0x4c: {  	v39 =	vor.u32 $0xF, v4;
	v40 =	vadd.f32 v32, v3;
	v12 =	vld.idx.msk [tilespmem:v30+s16+$0x0], $0xffff  }
0x4d: {  	v41 =	vld.idx.msk [tilespmem:v33+s15+$0x0], $0xffff;
	v5 =	vadd.f32 v6, v5;
	v6 =	vmul.f32 v7, v37;
	v7 =	vadd.f32 v11, v2  }
0x4e: {  	v42 =	vor.u32 $0x10, v4;
	v43 =	vadd.f32 v35, v3;
	v10 =	vld.idx.msk [tilespmem:v33+s16+$0x0], $0xffff  }
0x4f: {  	v44 =	vld.idx.msk [tilespmem:v36+s15+$0x0], $0xffff;
	v5 =	vadd.f32 v6, v5;
	v6 =	vmul.f32 v7, v40;
	v7 =	vadd.f32 v13, v2  }
0x50: {  	v45 =	vor.u32 $0x11, v4;
	v46 =	vadd.f32 v38, v3;
	v8 =	vld.idx.msk [tilespmem:v36+s16+$0x0], $0xffff  }
0x51: {  	v47 =	vld.idx.msk [tilespmem:v39+s15+$0x0], $0xffff;
	v5 =	vadd.f32 v6, v5;
	v6 =	vmul.f32 v7, v43;
	v7 =	vadd.f32 v12, v2  }
0x52: {  	v48 =	vor.u32 $0x12, v4;
	v49 =	vadd.f32 v41, v3;
	v9 =	vld.idx.msk [tilespmem:v39+s16+$0x0], $0xffff  }
0x53: {  	v50 =	vld.idx.msk [tilespmem:v42+s15+$0x0], $0xffff;
	v5 =	vadd.f32 v6, v5;
	v6 =	vmul.f32 v7, v46;
	v7 =	vadd.f32 v10, v2  }
0x54: {  	v51 =	vor.u32 $0x13, v4;
	v52 =	vadd.f32 v44, v3;
	v11 =	vld.idx.msk [tilespmem:v42+s16+$0x0], $0xffff  }
0x55: {  	v53 =	vld.idx.msk [tilespmem:v45+s15+$0x0], $0xffff;
	v5 =	vadd.f32 v6, v5;
	v6 =	vmul.f32 v7, v49;
	v7 =	vadd.f32 v8, v2  }
0x56: {  	v54 =	vor.u32 $0x14, v4;
	v55 =	vadd.f32 v47, v3;
	v13 =	vld.idx.msk [tilespmem:v45+s16+$0x0], $0xffff  }
0x57: {  	v56 =	vld.idx.msk [tilespmem:v48+s15+$0x0], $0xffff;
	v5 =	vadd.f32 v6, v5;
	v6 =	vmul.f32 v7, v52;
	v7 =	vadd.f32 v9, v2  }
0x58: {  	v57 =	vor.u32 $0x15, v4;
	v58 =	vadd.f32 v50, v3;
	v12 =	vld.idx.msk [tilespmem:v48+s16+$0x0], $0xffff  }
0x59: {  	v59 =	vld.idx.msk [tilespmem:v51+s15+$0x0], $0xffff;
	v5 =	vadd.f32 v6, v5;
	v6 =	vmul.f32 v7, v55;
	v7 =	vadd.f32 v11, v2  }
0x5a: {  	v61 =	vadd.f32 v53, v3;
	v60 =	vor.u32 $0x16, v4;
	v10 =	vld.idx.msk [tilespmem:v51+s16+$0x0], $0xffff  }
0x5b: {  	v62 =	vld.idx.msk [tilespmem:v54+s15+$0x0], $0xffff;
	v5 =	vadd.f32 v6, v5;
	v6 =	vmul.f32 v7, v58;
	v7 =	vadd.f32 v13, v2  }
0x5c: {  	v63 =	vor.u32 $0x17, v4;
	v21 =	vadd.f32 v56, v3;
	v8 =	vld.idx.msk [tilespmem:v54+s16+$0x0], $0xffff  }
0x5d: {  	v22 =	vld.idx.msk [tilespmem:v57+s15+$0x0], $0xffff;
	v5 =	vadd.f32 v6, v5;
	v6 =	vmul.f32 v7, v61;
	v7 =	vadd.f32 v12, v2  }
0x5e: {  	v23 =	vor.u32 $0x18, v4;
	v24 =	vadd.f32 v59, v3;
	v9 =	vld.idx.msk [tilespmem:v57+s16+$0x0], $0xffff  }
0x5f: {  	v25 =	vld.idx.msk [tilespmem:v60+s15+$0x0], $0xffff;
	v5 =	vadd.f32 v6, v5;
	v6 =	vmul.f32 v7, v21;
	v7 =	vadd.f32 v10, v2  }
0x60: {  	v26 =	vor.u32 $0x19, v4;
	v27 =	vadd.f32 v62, v3;
	v11 =	vld.idx.msk [tilespmem:v60+s16+$0x0], $0xffff  }
0x61: {  	v28 =	vld.idx.msk [tilespmem:v63+s15+$0x0], $0xffff;
	v5 =	vadd.f32 v6, v5;
	v6 =	vmul.f32 v7, v24;
	v7 =	vadd.f32 v8, v2  }
0x62: {  	v29 =	vor.u32 $0x1A, v4;
	v30 =	vadd.f32 v22, v3;
	v13 =	vld.idx.msk [tilespmem:v63+s16+$0x0], $0xffff  }
0x63: {  	v31 =	vld.idx.msk [tilespmem:v23+s15+$0x0], $0xffff;
	v5 =	vadd.f32 v6, v5;
	v6 =	vmul.f32 v7, v27;
	v7 =	vadd.f32 v9, v2  }
0x64: {  	v32 =	vor.u32 $0x1B, v4;
	v33 =	vadd.f32 v25, v3;
	v12 =	vld.idx.msk [tilespmem:v23+s16+$0x0], $0xffff  }
0x65: {  	v34 =	vld.idx.msk [tilespmem:v26+s15+$0x0], $0xffff;
	v5 =	vadd.f32 v6, v5;
	v6 =	vmul.f32 v7, v30;
	v7 =	vadd.f32 v11, v2  }
0x66: {  	v35 =	vor.u32 $0x1C, v4;
	v36 =	vadd.f32 v28, v3;
	v10 =	vld.idx.msk [tilespmem:v26+s16+$0x0], $0xffff  }
0x67: {  	v37 =	vld.idx.msk [tilespmem:v29+s15+$0x0], $0xffff;
	v5 =	vadd.f32 v6, v5;
	v6 =	vmul.f32 v7, v33;
	v7 =	vadd.f32 v13, v2  }
0x68: {  	v38 =	vor.u32 $0x1D, v4;
	v39 =	vadd.f32 v31, v3;
	v8 =	vld.idx.msk [tilespmem:v29+s16+$0x0], $0xffff  }
0x69: {  	v40 =	vld.idx.msk [tilespmem:v32+s15+$0x0], $0xffff;
	v5 =	vadd.f32 v6, v5;
	v6 =	vmul.f32 v7, v36;
	v7 =	vadd.f32 v12, v2  }
0x6a: {  	v41 =	vor.u32 $0x1E, v4;
	v42 =	vadd.f32 v34, v3;
	v9 =	vld.idx.msk [tilespmem:v32+s16+$0x0], $0xffff  }
0x6b: {  	v43 =	vld.idx.msk [tilespmem:v35+s15+$0x0], $0xffff;
	v5 =	vadd.f32 v6, v5;
	v6 =	vmul.f32 v7, v39;
	v7 =	vadd.f32 v10, v2  }
0x6c: {  	v44 =	vld.idx.msk [tilespmem:v35+s16+$0x0], $0xffff;
	v4 =	vor.u32 $0x1F, v4;
	v45 =	vadd.f32 v37, v3  }
0x6d: {  	v46 =	vld.idx.msk [tilespmem:v38+s15+$0x0], $0xffff;
	v5 =	vadd.f32 v6, v5;
	v6 =	vmul.f32 v7, v42;
	v7 =	vadd.f32 v8, v2  }
0x6e: {  	v47 =	vld.idx.msk [tilespmem:v38+s16+$0x0], $0xffff;
	v48 =	vadd.f32 v40, v3  }
0x6f: {  	v49 =	vld.idx.msk [tilespmem:v41+s15+$0x0], $0xffff;
	v5 =	vadd.f32 v6, v5;
	v6 =	vmul.f32 v7, v45;
	v7 =	vadd.f32 v9, v2  }
0x70: {  	v50 =	vld.idx.msk [tilespmem:v41+s16+$0x0], $0xffff;
	v51 =	vadd.f32 v43, v3  }
0x71: {  	v52 =	vld.idx.msk [tilespmem:v4+s15+$0x0], $0xffff;
	v5 =	vadd.f32 v6, v5;
	v6 =	vmul.f32 v7, v48;
	v7 =	vadd.f32 v44, v2  }
0x72: {  	v4 =	vld.idx.msk [tilespmem:v4+s16+$0x0], $0xffff;
	v53 =	vadd.f32 v46, v3  }
0x73: {  	v5 =	vadd.f32 v6, v5;
	v6 =	vmul.f32 v7, v51;
	v7 =	vadd.f32 v47, v2  }
0x74: {  	v54 =	vadd.f32 v49, v3  }
0x75: {  	s31 =	simm.s32 $0x10;
	v5 =	vadd.f32 v6, v5;
	v6 =	vmul.f32 v7, v53;
	v7 =	vadd.f32 v50, v2  }
0x76: {  	v55 =	vmov s31;
	v3 =	vadd.f32 v52, v3  }
0x77: {  	v2 =	vadd.f32 v4, v2;
	v5 =	vadd.f32 v6, v5;
	v6 =	vmul.f32 v7, v54  }
0x78: {  	v4 =	vshll.u32 v55, $0x5  }
0x79: {  	v4 =	vor.u32 v0, v4;
	v2 =	vmul.f32 v2, v3;
	v5 =	vadd.f32 v6, v5;
	_ =	sdelay $0x1  }
0x7a: {  	v2 =	vadd.f32 v2, v5;
	_ =	sdelay $0x1  }
0x7b: {  	v7 =	vor.u32 $0x2, v4;
	[tilespmem:s18+$0x0] =	vst v2  }
0x7c: {  	v5 =	vor.u32 $0x1, v4;
	v6 =	vld.idx.msk [tilespmem:v4+s15+$0x0], $0xffff  }
0x7d: {  	s20 =	simm.s32 $0x8410;
	v56 =	vld.idx.msk [tilespmem:v4+s16+$0x0], $0xffff  }
0x7e: {  	s21 =	simm.s32 $0x8610;
	v2 =	vld [tilespmem:s20+$0x0]  }
0x7f: {  	v57 =	vor.u32 $0x3, v4;
	v3 =	vld [tilespmem:s21+$0x0]  }
0x80: {  	v60 =	vld.idx.msk [tilespmem:v7+s15+$0x0], $0xffff  }
0x81: {  	v59 =	vor.u32 $0x4, v4;
	v58 =	vld.idx.msk [tilespmem:v5+s15+$0x0], $0xffff  }
0x82: {  	v5 =	vld.idx.msk [tilespmem:v5+s16+$0x0], $0xffff  }
0x83: {  	v61 =	vor.u32 $0x5, v4;
	v7 =	vld.idx.msk [tilespmem:v7+s16+$0x0], $0xffff  }
0x84: {  	v62 =	vld.idx.msk [tilespmem:v57+s15+$0x0], $0xffff  }
0x85: {  	v63 =	vor.u32 $0x6, v4;
	v9 =	vld.idx.msk [tilespmem:v57+s16+$0x0], $0xffff;
	v6 =	vadd.f32 v6, v2;
	v8 =	vadd.f32 v56, v3  }
0x86: {  	v23 =	vor.u32 $0x7, v4;
	v21 =	vld.idx.msk [tilespmem:v59+s15+$0x0], $0xffff  }
0x87: {  	v11 =	vld.idx.msk [tilespmem:v59+s16+$0x0], $0xffff;
	v6 =	vmul.f32 v8, v6;
	v22 =	vadd.f32 v58, v2;
	v5 =	vadd.f32 v5, v3  }
0x88: {  	v25 =	vor.u32 $0x8, v4;
	v24 =	vld.idx.msk [tilespmem:v61+s15+$0x0], $0xffff;
	v12 =	vadd.f32 v60, v2  }
0x89: {  	v13 =	vld.idx.msk [tilespmem:v61+s16+$0x0], $0xffff;
	v7 =	vadd.f32 v7, v3;
	v6 =	vadd.f32 v6, v1;
	v5 =	vmul.f32 v5, v22  }
0x8a: {  	v27 =	vor.u32 $0x9, v4;
	v26 =	vld.idx.msk [tilespmem:v63+s15+$0x0], $0xffff;
	v14 =	vadd.f32 v62, v2  }
0x8b: {  	v28 =	vld.idx.msk [tilespmem:v63+s16+$0x0], $0xffff;
	v5 =	vadd.f32 v5, v6;
	v6 =	vmul.f32 v7, v12;
	v7 =	vadd.f32 v9, v3  }
0x8c: {  	v31 =	vor.u32 $0xA, v4;
	v30 =	vld.idx.msk [tilespmem:v23+s15+$0x0], $0xffff;
	v29 =	vadd.f32 v21, v2  }
0x8d: {  	v10 =	vld.idx.msk [tilespmem:v23+s16+$0x0], $0xffff;
	v5 =	vadd.f32 v6, v5;
	v6 =	vmul.f32 v7, v14;
	v7 =	vadd.f32 v11, v3  }
0x8e: {  	v34 =	vor.u32 $0xB, v4;
	v33 =	vld.idx.msk [tilespmem:v25+s15+$0x0], $0xffff;
	v32 =	vadd.f32 v24, v2  }
0x8f: {  	v36 =	vld.idx.msk [tilespmem:v27+s15+$0x0], $0xffff;
	v5 =	vadd.f32 v6, v5;
	v6 =	vmul.f32 v7, v29;
	v7 =	vadd.f32 v13, v3  }
0x90: {  	v37 =	vor.u32 $0xC, v4;
	v35 =	vadd.f32 v26, v2;
	v8 =	vld.idx.msk [tilespmem:v25+s16+$0x0], $0xffff  }
0x91: {  	v39 =	vld.idx.msk [tilespmem:v31+s15+$0x0], $0xffff;
	v5 =	vadd.f32 v6, v5;
	v6 =	vmul.f32 v7, v32;
	v7 =	vadd.f32 v28, v3  }
0x92: {  	v40 =	vor.u32 $0xD, v4;
	v38 =	vadd.f32 v30, v2;
	v9 =	vld.idx.msk [tilespmem:v27+s16+$0x0], $0xffff  }
0x93: {  	v42 =	vld.idx.msk [tilespmem:v34+s15+$0x0], $0xffff;
	v5 =	vadd.f32 v6, v5;
	v6 =	vmul.f32 v7, v35;
	v7 =	vadd.f32 v10, v3  }
0x94: {  	v43 =	vor.u32 $0xE, v4;
	v41 =	vadd.f32 v33, v2;
	v11 =	vld.idx.msk [tilespmem:v31+s16+$0x0], $0xffff  }
0x95: {  	v45 =	vld.idx.msk [tilespmem:v37+s15+$0x0], $0xffff;
	v5 =	vadd.f32 v6, v5;
	v6 =	vmul.f32 v7, v38;
	v7 =	vadd.f32 v8, v3  }
0x96: {  	v46 =	vor.u32 $0xF, v4;
	v44 =	vadd.f32 v36, v2;
	v13 =	vld.idx.msk [tilespmem:v34+s16+$0x0], $0xffff  }
0x97: {  	v48 =	vld.idx.msk [tilespmem:v40+s15+$0x0], $0xffff;
	v5 =	vadd.f32 v6, v5;
	v6 =	vmul.f32 v7, v41;
	v7 =	vadd.f32 v9, v3  }
0x98: {  	v49 =	vor.u32 $0x10, v4;
	v47 =	vadd.f32 v39, v2;
	v12 =	vld.idx.msk [tilespmem:v37+s16+$0x0], $0xffff  }
0x99: {  	v51 =	vld.idx.msk [tilespmem:v43+s15+$0x0], $0xffff;
	v5 =	vadd.f32 v6, v5;
	v6 =	vmul.f32 v7, v44;
	v7 =	vadd.f32 v11, v3  }
0x9a: {  	v55 =	vor.u32 $0x12, v4;
	v50 =	vadd.f32 v42, v2;
	v10 =	vld.idx.msk [tilespmem:v40+s16+$0x0], $0xffff  }
0x9b: {  	v54 =	vld.idx.msk [tilespmem:v46+s15+$0x0], $0xffff;
	v5 =	vadd.f32 v6, v5;
	v6 =	vmul.f32 v7, v47;
	v7 =	vadd.f32 v13, v3  }
0x9c: {  	v52 =	vor.u32 $0x11, v4;
	v53 =	vadd.f32 v45, v2;
	v8 =	vld.idx.msk [tilespmem:v43+s16+$0x0], $0xffff  }
0x9d: {  	v57 =	vld.idx.msk [tilespmem:v49+s15+$0x0], $0xffff;
	v5 =	vadd.f32 v6, v5;
	v6 =	vmul.f32 v7, v50;
	v7 =	vadd.f32 v12, v3  }
0x9e: {  	v61 =	vor.u32 $0x14, v4;
	v56 =	vadd.f32 v48, v2;
	v9 =	vld.idx.msk [tilespmem:v46+s16+$0x0], $0xffff  }
0x9f: {  	v63 =	vld.idx.msk [tilespmem:v55+s15+$0x0], $0xffff;
	v5 =	vadd.f32 v6, v5;
	v6 =	vmul.f32 v7, v53;
	v7 =	vadd.f32 v10, v3  }
0xa0: {  	v59 =	vadd.f32 v51, v2;
	v58 =	vor.u32 $0x13, v4;
	v11 =	vld.idx.msk [tilespmem:v49+s16+$0x0], $0xffff  }
0xa1: {  	v60 =	vld.idx.msk [tilespmem:v52+s15+$0x0], $0xffff;
	v5 =	vadd.f32 v6, v5;
	v6 =	vmul.f32 v7, v56;
	v7 =	vadd.f32 v8, v3  }
0xa2: {  	v62 =	vadd.f32 v54, v2;
	v42 =	vor.u32 $0x1C, v4;
	v13 =	vld.idx.msk [tilespmem:v52+s16+$0x0], $0xffff  }
0xa3: {  	v26 =	vld.idx.msk [tilespmem:v61+s15+$0x0], $0xffff;
	v5 =	vadd.f32 v6, v5;
	v6 =	vmul.f32 v7, v59;
	v7 =	vadd.f32 v9, v3  }
0xa4: {  	v21 =	vor.u32 $0x15, v4;
	v22 =	vadd.f32 v57, v2;
	v12 =	vld.idx.msk [tilespmem:v55+s16+$0x0], $0xffff  }
0xa5: {  	v23 =	vld.idx.msk [tilespmem:v58+s15+$0x0], $0xffff;
	v5 =	vadd.f32 v6, v5;
	v6 =	vmul.f32 v7, v62;
	v7 =	vadd.f32 v11, v3  }
0xa6: {  	v24 =	vor.u32 $0x16, v4;
	v25 =	vadd.f32 v60, v2;
	v10 =	vld.idx.msk [tilespmem:v58+s16+$0x0], $0xffff  }
0xa7: {  	v51 =	vld.idx.msk [tilespmem:v42+s16+$0x0], $0xffff;
	v5 =	vadd.f32 v6, v5;
	v6 =	vmul.f32 v7, v22;
	v7 =	vadd.f32 v13, v3  }
0xa8: {  	v27 =	vor.u32 $0x17, v4;
	v28 =	vadd.f32 v63, v2;
	v8 =	vld.idx.msk [tilespmem:v61+s16+$0x0], $0xffff  }
0xa9: {  	v29 =	vld.idx.msk [tilespmem:v21+s15+$0x0], $0xffff;
	v5 =	vadd.f32 v6, v5;
	v6 =	vmul.f32 v7, v25;
	v7 =	vadd.f32 v12, v3  }
0xaa: {  	v30 =	vor.u32 $0x18, v4;
	v31 =	vadd.f32 v23, v2;
	v9 =	vld.idx.msk [tilespmem:v21+s16+$0x0], $0xffff  }
0xab: {  	v32 =	vld.idx.msk [tilespmem:v24+s15+$0x0], $0xffff;
	v5 =	vadd.f32 v6, v5;
	v6 =	vmul.f32 v7, v28;
	v7 =	vadd.f32 v10, v3  }
0xac: {  	v33 =	vor.u32 $0x19, v4;
	v34 =	vadd.f32 v26, v2;
	v11 =	vld.idx.msk [tilespmem:v24+s16+$0x0], $0xffff  }
0xad: {  	v35 =	vld.idx.msk [tilespmem:v27+s15+$0x0], $0xffff;
	v5 =	vadd.f32 v6, v5;
	v6 =	vmul.f32 v7, v31;
	v7 =	vadd.f32 v8, v3  }
0xae: {  	v36 =	vor.u32 $0x1A, v4;
	v37 =	vadd.f32 v29, v2;
	v13 =	vld.idx.msk [tilespmem:v27+s16+$0x0], $0xffff  }
0xaf: {  	v38 =	vld.idx.msk [tilespmem:v30+s15+$0x0], $0xffff;
	v5 =	vadd.f32 v6, v5;
	v6 =	vmul.f32 v7, v34;
	v7 =	vadd.f32 v9, v3  }
0xb0: {  	v39 =	vor.u32 $0x1B, v4;
	v40 =	vadd.f32 v32, v2;
	v12 =	vld.idx.msk [tilespmem:v30+s16+$0x0], $0xffff  }
0xb1: {  	v41 =	vld.idx.msk [tilespmem:v33+s15+$0x0], $0xffff;
	v5 =	vadd.f32 v6, v5;
	v6 =	vmul.f32 v7, v37;
	v7 =	vadd.f32 v11, v3  }
0xb2: {  	v45 =	vor.u32 $0x1D, v4;
	v43 =	vadd.f32 v35, v2;
	v10 =	vld.idx.msk [tilespmem:v33+s16+$0x0], $0xffff  }
0xb3: {  	v44 =	vld.idx.msk [tilespmem:v36+s15+$0x0], $0xffff;
	v5 =	vadd.f32 v6, v5;
	v6 =	vmul.f32 v7, v40;
	v7 =	vadd.f32 v13, v3  }
0xb4: {  	v48 =	vor.u32 $0x1E, v4;
	v46 =	vadd.f32 v38, v2;
	v8 =	vld.idx.msk [tilespmem:v36+s16+$0x0], $0xffff  }
0xb5: {  	v47 =	vld.idx.msk [tilespmem:v39+s15+$0x0], $0xffff;
	v5 =	vadd.f32 v6, v5;
	v6 =	vmul.f32 v7, v43;
	v7 =	vadd.f32 v12, v3  }
0xb6: {  	v4 =	vor.u32 $0x1F, v4;
	v49 =	vadd.f32 v41, v2;
	v9 =	vld.idx.msk [tilespmem:v39+s16+$0x0], $0xffff  }
0xb7: {  	v50 =	vld.idx.msk [tilespmem:v42+s15+$0x0], $0xffff;
	v5 =	vadd.f32 v6, v5;
	v6 =	vmul.f32 v7, v46;
	v7 =	vadd.f32 v10, v3  }
0xb8: {  	v54 =	vld.idx.msk [tilespmem:v45+s16+$0x0], $0xffff;
	v52 =	vadd.f32 v44, v2  }
0xb9: {  	v53 =	vld.idx.msk [tilespmem:v45+s15+$0x0], $0xffff;
	v5 =	vadd.f32 v6, v5;
	v6 =	vmul.f32 v7, v49;
	v7 =	vadd.f32 v8, v3  }
0xba: {  	v57 =	vld.idx.msk [tilespmem:v48+s16+$0x0], $0xffff;
	v55 =	vadd.f32 v47, v2  }
0xbb: {  	v56 =	vld.idx.msk [tilespmem:v48+s15+$0x0], $0xffff;
	v5 =	vadd.f32 v6, v5;
	v6 =	vmul.f32 v7, v52;
	v7 =	vadd.f32 v9, v3  }
0xbc: {  	v58 =	vadd.f32 v50, v2;
	v59 =	vld.idx.msk [tilespmem:v4+s15+$0x0], $0xffff  }
0xbd: {  	v4 =	vld.idx.msk [tilespmem:v4+s16+$0x0], $0xffff;
	v5 =	vadd.f32 v6, v5;
	v6 =	vmul.f32 v7, v55;
	v7 =	vadd.f32 v51, v3  }
0xbe: {  	v60 =	vadd.f32 v53, v2  }
0xbf: {  	v5 =	vadd.f32 v6, v5;
	v6 =	vmul.f32 v7, v58;
	v7 =	vadd.f32 v54, v3  }
0xc0: {  	v62 =	vadd.f32 v56, v2  }
0xc1: {  	s22 =	simm.s32 $0x20;
	v5 =	vadd.f32 v6, v5;
	v6 =	vmul.f32 v7, v60;
	v7 =	vadd.f32 v57, v3  }
0xc2: {  	v61 =	vmov s22;
	v63 =	vadd.f32 v59, v2;
	v4 =	vadd.f32 v4, v3  }
0xc3: {  	v8 =	vshll.u32 v61, $0x5;
	v6 =	vadd.f32 v6, v5;
	v7 =	vmul.f32 v7, v62  }
0xc4: {  	v2 =	vor.u32 v0, v8  }
0xc5: {  	v4 =	vmul.f32 v4, v63;
	v5 =	vor.u32 $0x1, v2;
	v3 =	vadd.f32 v7, v6  }
0xc6: {  	s23 =	simm.s32 $0x30;
	s22 =	simm.s32 $0x8810  }
.LBB2_2:
0xc7: {  	p0 =	sne.s32 s23, $0x1F0;
	v3 =	vadd.f32 v4, v3  }
0xc8: {  	s22 =	sadd.s32 $0x10, s22  }
0xc9: {  	[tilespmem:s22+$0x0] =	vst v3  }
0xca: {  	v6 =	vld.idx.msk [tilespmem:v5+s15+$0x0], $0xffff  }
0xcb: {  	v8 =	vor.u32 $0x2, v2;
	v7 =	vld.idx.msk [tilespmem:v2+s15+$0x0], $0xffff  }
0xcc: {  	s20 =	sadd.s32 $0x10, s20;
	v9 =	vld.idx.msk [tilespmem:v2+s16+$0x0], $0xffff  }
0xcd: {  	v10 =	vor.u32 $0x3, v2;
	s21 =	sadd.s32 $0x10, s21;
	v3 =	vld [tilespmem:s20+$0x0]  }
0xce: {  	v4 =	vld [tilespmem:s21+$0x0]  }
0xcf: {  	v11 =	vor.u32 $0x4, v2;
	v5 =	vld.idx.msk [tilespmem:v5+s16+$0x0], $0xffff  }
0xd0: {  	v12 =	vld.idx.msk [tilespmem:v8+s15+$0x0], $0xffff  }
0xd1: {  	v13 =	vor.u32 $0x5, v2;
	v8 =	vld.idx.msk [tilespmem:v8+s16+$0x0], $0xffff  }
0xd2: {  	v14 =	vld.idx.msk [tilespmem:v10+s15+$0x0], $0xffff  }
0xd3: {  	v15 =	vor.u32 $0x6, v2;
	v7 =	vadd.f32 v7, v3;
	v9 =	vadd.f32 v9, v4;
	v10 =	vld.idx.msk [tilespmem:v10+s16+$0x0], $0xffff  }
0xd4: {  	v17 =	vor.u32 $0x7, v2;
	v16 =	vld.idx.msk [tilespmem:v11+s15+$0x0], $0xffff  }
0xd5: {  	v6 =	vadd.f32 v6, v3;
	v5 =	vadd.f32 v5, v4;
	v7 =	vmul.f32 v9, v7;
	v9 =	vld.idx.msk [tilespmem:v11+s16+$0x0], $0xffff  }
0xd6: {  	v18 =	vor.u32 $0x8, v2;
	v11 =	vadd.f32 v12, v3;
	v12 =	vld.idx.msk [tilespmem:v13+s15+$0x0], $0xffff  }
0xd7: {  	v5 =	vmul.f32 v5, v6;
	v6 =	vadd.f32 v8, v4;
	v7 =	vadd.f32 v7, v1;
	v8 =	vld.idx.msk [tilespmem:v13+s16+$0x0], $0xffff  }
0xd8: {  	v19 =	vor.u32 $0x9, v2;
	v13 =	vadd.f32 v14, v3;
	v14 =	vld.idx.msk [tilespmem:v15+s15+$0x0], $0xffff  }
0xd9: {  	v6 =	vmul.f32 v6, v11;
	v5 =	vadd.f32 v5, v7;
	v7 =	vadd.f32 v10, v4;
	v10 =	vld.idx.msk [tilespmem:v15+s16+$0x0], $0xffff  }
0xda: {  	v11 =	vadd.f32 v16, v3;
	v16 =	vor.u32 $0xA, v2;
	v15 =	vld.idx.msk [tilespmem:v17+s15+$0x0], $0xffff  }
0xdb: {  	v5 =	vadd.f32 v6, v5;
	v6 =	vmul.f32 v7, v13;
	v7 =	vadd.f32 v9, v4;
	v9 =	vld.idx.msk [tilespmem:v17+s16+$0x0], $0xffff  }
0xdc: {  	v12 =	vadd.f32 v12, v3;
	v17 =	vor.u32 $0xB, v2;
	v13 =	vld.idx.msk [tilespmem:v18+s15+$0x0], $0xffff  }
0xdd: {  	v5 =	vadd.f32 v6, v5;
	v6 =	vmul.f32 v7, v11;
	v7 =	vadd.f32 v8, v4;
	v8 =	vld.idx.msk [tilespmem:v18+s16+$0x0], $0xffff  }
0xde: {  	v11 =	vadd.f32 v14, v3;
	v18 =	vor.u32 $0xC, v2;
	v14 =	vld.idx.msk [tilespmem:v19+s15+$0x0], $0xffff  }
0xdf: {  	v5 =	vadd.f32 v6, v5;
	v6 =	vmul.f32 v7, v12;
	v7 =	vadd.f32 v10, v4;
	v10 =	vld.idx.msk [tilespmem:v19+s16+$0x0], $0xffff  }
0xe0: {  	v12 =	vadd.f32 v15, v3;
	v19 =	vor.u32 $0xD, v2;
	v15 =	vld.idx.msk [tilespmem:v16+s15+$0x0], $0xffff  }
0xe1: {  	v5 =	vadd.f32 v6, v5;
	v6 =	vmul.f32 v7, v11;
	v7 =	vadd.f32 v9, v4;
	v9 =	vld.idx.msk [tilespmem:v16+s16+$0x0], $0xffff  }
0xe2: {  	v11 =	vadd.f32 v13, v3;
	v16 =	vor.u32 $0xE, v2;
	v13 =	vld.idx.msk [tilespmem:v17+s15+$0x0], $0xffff  }
0xe3: {  	v5 =	vadd.f32 v6, v5;
	v6 =	vmul.f32 v7, v12;
	v7 =	vadd.f32 v8, v4;
	v8 =	vld.idx.msk [tilespmem:v17+s16+$0x0], $0xffff  }
0xe4: {  	v12 =	vadd.f32 v14, v3;
	v17 =	vor.u32 $0xF, v2;
	v14 =	vld.idx.msk [tilespmem:v18+s15+$0x0], $0xffff  }
0xe5: {  	v5 =	vadd.f32 v6, v5;
	v6 =	vmul.f32 v7, v11;
	v7 =	vadd.f32 v10, v4;
	v10 =	vld.idx.msk [tilespmem:v18+s16+$0x0], $0xffff  }
0xe6: {  	v11 =	vadd.f32 v15, v3;
	v18 =	vor.u32 $0x10, v2;
	v15 =	vld.idx.msk [tilespmem:v19+s15+$0x0], $0xffff  }
0xe7: {  	v5 =	vadd.f32 v6, v5;
	v6 =	vmul.f32 v7, v12;
	v7 =	vadd.f32 v9, v4;
	v9 =	vld.idx.msk [tilespmem:v19+s16+$0x0], $0xffff  }
0xe8: {  	v12 =	vadd.f32 v13, v3;
	v19 =	vor.u32 $0x11, v2;
	v13 =	vld.idx.msk [tilespmem:v16+s15+$0x0], $0xffff  }
0xe9: {  	v5 =	vadd.f32 v6, v5;
	v6 =	vmul.f32 v7, v11;
	v7 =	vadd.f32 v8, v4;
	v8 =	vld.idx.msk [tilespmem:v16+s16+$0x0], $0xffff  }
0xea: {  	v11 =	vadd.f32 v14, v3;
	v16 =	vor.u32 $0x12, v2;
	v14 =	vld.idx.msk [tilespmem:v17+s15+$0x0], $0xffff  }
0xeb: {  	v5 =	vadd.f32 v6, v5;
	v6 =	vmul.f32 v7, v12;
	v7 =	vadd.f32 v10, v4;
	v10 =	vld.idx.msk [tilespmem:v17+s16+$0x0], $0xffff  }
0xec: {  	v12 =	vadd.f32 v15, v3;
	v17 =	vor.u32 $0x13, v2;
	v15 =	vld.idx.msk [tilespmem:v18+s15+$0x0], $0xffff  }
0xed: {  	v5 =	vadd.f32 v6, v5;
	v6 =	vmul.f32 v7, v11;
	v7 =	vadd.f32 v9, v4;
	v9 =	vld.idx.msk [tilespmem:v18+s16+$0x0], $0xffff  }
0xee: {  	v11 =	vadd.f32 v13, v3;
	v18 =	vor.u32 $0x14, v2;
	v13 =	vld.idx.msk [tilespmem:v19+s15+$0x0], $0xffff  }
0xef: {  	v5 =	vadd.f32 v6, v5;
	v6 =	vmul.f32 v7, v12;
	v7 =	vadd.f32 v8, v4;
	v8 =	vld.idx.msk [tilespmem:v19+s16+$0x0], $0xffff  }
0xf0: {  	v12 =	vadd.f32 v14, v3;
	v19 =	vor.u32 $0x15, v2;
	v14 =	vld.idx.msk [tilespmem:v16+s15+$0x0], $0xffff  }
0xf1: {  	v5 =	vadd.f32 v6, v5;
	v6 =	vmul.f32 v7, v11;
	v7 =	vadd.f32 v10, v4;
	v10 =	vld.idx.msk [tilespmem:v16+s16+$0x0], $0xffff  }
0xf2: {  	v11 =	vadd.f32 v15, v3;
	v16 =	vor.u32 $0x16, v2;
	v15 =	vld.idx.msk [tilespmem:v17+s15+$0x0], $0xffff  }
0xf3: {  	v5 =	vadd.f32 v6, v5;
	v6 =	vmul.f32 v7, v12;
	v7 =	vadd.f32 v9, v4;
	v9 =	vld.idx.msk [tilespmem:v17+s16+$0x0], $0xffff  }
0xf4: {  	v12 =	vadd.f32 v13, v3;
	v17 =	vor.u32 $0x17, v2;
	v13 =	vld.idx.msk [tilespmem:v18+s15+$0x0], $0xffff  }
0xf5: {  	v5 =	vadd.f32 v6, v5;
	v6 =	vmul.f32 v7, v11;
	v7 =	vadd.f32 v8, v4;
	v8 =	vld.idx.msk [tilespmem:v18+s16+$0x0], $0xffff  }
0xf6: {  	v11 =	vadd.f32 v14, v3;
	v18 =	vor.u32 $0x18, v2;
	v14 =	vld.idx.msk [tilespmem:v19+s15+$0x0], $0xffff  }
0xf7: {  	v5 =	vadd.f32 v6, v5;
	v6 =	vmul.f32 v7, v12;
	v7 =	vadd.f32 v10, v4;
	v10 =	vld.idx.msk [tilespmem:v19+s16+$0x0], $0xffff  }
0xf8: {  	v12 =	vadd.f32 v15, v3;
	v19 =	vor.u32 $0x19, v2;
	v15 =	vld.idx.msk [tilespmem:v16+s15+$0x0], $0xffff  }
0xf9: {  	v5 =	vadd.f32 v6, v5;
	v6 =	vmul.f32 v7, v11;
	v7 =	vadd.f32 v9, v4;
	v9 =	vld.idx.msk [tilespmem:v16+s16+$0x0], $0xffff  }
0xfa: {  	v11 =	vadd.f32 v13, v3;
	v16 =	vor.u32 $0x1A, v2;
	v13 =	vld.idx.msk [tilespmem:v17+s15+$0x0], $0xffff  }
0xfb: {  	v5 =	vadd.f32 v6, v5;
	v6 =	vmul.f32 v7, v12;
	v7 =	vadd.f32 v8, v4;
	v8 =	vld.idx.msk [tilespmem:v17+s16+$0x0], $0xffff  }
0xfc: {  	v12 =	vadd.f32 v14, v3;
	v17 =	vor.u32 $0x1B, v2;
	v14 =	vld.idx.msk [tilespmem:v18+s15+$0x0], $0xffff  }
0xfd: {  	v5 =	vadd.f32 v6, v5;
	v6 =	vmul.f32 v7, v11;
	v7 =	vadd.f32 v10, v4;
	v10 =	vld.idx.msk [tilespmem:v18+s16+$0x0], $0xffff  }
0xfe: {  	v11 =	vadd.f32 v15, v3;
	v18 =	vor.u32 $0x1C, v2;
	v15 =	vld.idx.msk [tilespmem:v19+s15+$0x0], $0xffff  }
0xff: {  	v5 =	vadd.f32 v6, v5;
	v6 =	vmul.f32 v7, v12;
	v7 =	vadd.f32 v9, v4;
	v9 =	vld.idx.msk [tilespmem:v19+s16+$0x0], $0xffff  }
0x100: {  	v12 =	vadd.f32 v13, v3;
	v19 =	vor.u32 $0x1D, v2;
	v13 =	vld.idx.msk [tilespmem:v16+s15+$0x0], $0xffff  }
0x101: {  	v5 =	vadd.f32 v6, v5;
	v6 =	vmul.f32 v7, v11;
	v7 =	vadd.f32 v8, v4;
	v8 =	vld.idx.msk [tilespmem:v16+s16+$0x0], $0xffff  }
0x102: {  	v11 =	vadd.f32 v14, v3;
	v16 =	vor.u32 $0x1E, v2;
	v14 =	vld.idx.msk [tilespmem:v17+s15+$0x0], $0xffff  }
0x103: {  	v5 =	vadd.f32 v6, v5;
	v6 =	vmul.f32 v7, v12;
	v7 =	vadd.f32 v10, v4;
	v10 =	vld.idx.msk [tilespmem:v17+s16+$0x0], $0xffff  }
0x104: {  	v2 =	vor.u32 $0x1F, v2;
	v12 =	vadd.f32 v15, v3;
	v15 =	vld.idx.msk [tilespmem:v18+s15+$0x0], $0xffff  }
0x105: {  	v5 =	vadd.f32 v6, v5;
	v6 =	vmul.f32 v7, v11;
	v7 =	vadd.f32 v9, v4;
	v9 =	vld.idx.msk [tilespmem:v18+s16+$0x0], $0xffff  }
0x106: {  	v11 =	vadd.f32 v13, v3;
	v13 =	vld.idx.msk [tilespmem:v19+s15+$0x0], $0xffff  }
0x107: {  	v5 =	vadd.f32 v6, v5;
	v6 =	vmul.f32 v7, v12;
	v7 =	vadd.f32 v8, v4;
	v8 =	vld.idx.msk [tilespmem:v19+s16+$0x0], $0xffff  }
0x108: {  	v12 =	vadd.f32 v14, v3;
	v14 =	vld.idx.msk [tilespmem:v16+s15+$0x0], $0xffff  }
0x109: {  	v5 =	vadd.f32 v6, v5;
	v6 =	vmul.f32 v7, v11;
	v7 =	vadd.f32 v10, v4;
	v10 =	vld.idx.msk [tilespmem:v16+s16+$0x0], $0xffff  }
0x10a: {  	v11 =	vadd.f32 v15, v3;
	v15 =	vld.idx.msk [tilespmem:v2+s15+$0x0], $0xffff  }
0x10b: {  	v5 =	vadd.f32 v6, v5;
	v6 =	vmul.f32 v7, v12;
	v7 =	vadd.f32 v9, v4;
	v2 =	vld.idx.msk [tilespmem:v2+s16+$0x0], $0xffff  }
0x10c: {  	v9 =	vadd.f32 v13, v3  }
0x10d: {  	v5 =	vadd.f32 v6, v5;
	v6 =	vmul.f32 v7, v11;
	v7 =	vadd.f32 v8, v4  }
0x10e: {  	v8 =	vmov s23;
	v11 =	vadd.f32 v14, v3  }
0x10f: {  	v5 =	vadd.f32 v6, v5;
	v6 =	vmul.f32 v7, v9;
	v7 =	vadd.f32 v10, v4  }
.Ltmp0:
0x110: {  	v8 =	vshll.u32 v8, $0x5;
	v9 =	vadd.f32 v15, v3;
	(pc) =	sbr.rel @p0 .LBB2_2-.Ltmp0, $4  }
0x111: {  	v4 =	vadd.f32 v2, v4;
	v3 =	vadd.f32 v6, v5;
	v6 =	vmul.f32 v7, v11  }
0x112: {  	v2 =	vor.u32 v0, v8  }
0x113: {  	v5 =	vor.u32 $0x1, v2;
	v4 =	vmul.f32 v4, v9;
	v3 =	vadd.f32 v6, v3  }
0x114: {  	s23 =	sadd.s32 $0x10, s23  }
0x115: {  	_ = 	snop  }
0x116: {  	v3 =	vadd.f32 v4, v3  }
0x117: {  	s22 =	sadd.s32 $0x10, s22  }
0x118: {  	[tilespmem:s22+$0x0] =	vst v3  }
0x119: {  	v6 =	vld.idx.msk [tilespmem:v2+s15+$0x0], $0xffff  }
0x11a: {  	v7 =	vor.u32 $0x2, v2;
	s20 =	sadd.s32 $0x10, s20;
	v8 =	vld.idx.msk [tilespmem:v2+s16+$0x0], $0xffff  }
0x11b: {  	s30 =	sadd.s32 $0x10, s21;
	v3 =	vld [tilespmem:s20+$0x0]  }
0x11c: {  	v9 =	vor.u32 $0x3, v2;
	v4 =	vld [tilespmem:s30+$0x0]  }
0x11d: {  	v10 =	vld.idx.msk [tilespmem:v5+s15+$0x0], $0xffff  }
0x11e: {  	v11 =	vor.u32 $0x4, v2;
	v54 =	vld.idx.msk [tilespmem:v5+s16+$0x0], $0xffff  }
0x11f: {  	v12 =	vld.idx.msk [tilespmem:v7+s15+$0x0], $0xffff  }
0x120: {  	v13 =	vor.u32 $0x5, v2;
	v7 =	vld.idx.msk [tilespmem:v7+s16+$0x0], $0xffff  }
0x121: {  	v14 =	vld.idx.msk [tilespmem:v9+s15+$0x0], $0xffff;
	v6 =	vadd.f32 v6, v3;
	v8 =	vadd.f32 v8, v4  }
0x122: {  	v15 =	vor.u32 $0x6, v2;
	v9 =	vld.idx.msk [tilespmem:v9+s16+$0x0], $0xffff  }
0x123: {  	v16 =	vld.idx.msk [tilespmem:v11+s15+$0x0], $0xffff;
	v55 =	vadd.f32 v10, v3;
	v5 =	vadd.f32 v54, v4;
	v6 =	vmul.f32 v8, v6  }
0x124: {  	v56 =	vor.u32 $0x7, v2;
	v11 =	vld.idx.msk [tilespmem:v11+s16+$0x0], $0xffff;
	v12 =	vadd.f32 v12, v3  }
0x125: {  	v17 =	vld.idx.msk [tilespmem:v13+s15+$0x0], $0xffff;
	v5 =	vmul.f32 v5, v55;
	v57 =	vadd.f32 v7, v4;
	v1 =	vadd.f32 v6, v1  }
0x126: {  	v58 =	vor.u32 $0x8, v2;
	v59 =	vld.idx.msk [tilespmem:v13+s16+$0x0], $0xffff;
	v60 =	vadd.f32 v14, v3  }
0x127: {  	v61 =	vld.idx.msk [tilespmem:v15+s15+$0x0], $0xffff;
	v63 =	vadd.f32 v9, v4;
	v62 =	vmul.f32 v57, v12;
	v1 =	vadd.f32 v5, v1  }
0x128: {  	v20 =	vor.u32 $0x9, v2;
	v21 =	vld.idx.msk [tilespmem:v15+s16+$0x0], $0xffff;
	v22 =	vadd.f32 v16, v3  }
0x129: {  	v23 =	vld.idx.msk [tilespmem:v56+s15+$0x0], $0xffff;
	v25 =	vadd.f32 v11, v4;
	v24 =	vmul.f32 v63, v60;
	v1 =	vadd.f32 v62, v1  }
0x12a: {  	v26 =	vor.u32 $0xA, v2;
	v10 =	vld.idx.msk [tilespmem:v56+s16+$0x0], $0xffff;
	v27 =	vadd.f32 v17, v3  }
0x12b: {  	v28 =	vld.idx.msk [tilespmem:v58+s15+$0x0], $0xffff;
	v30 =	vadd.f32 v59, v4;
	v29 =	vmul.f32 v25, v22;
	v1 =	vadd.f32 v24, v1  }
0x12c: {  	v31 =	vor.u32 $0xB, v2;
	v7 =	vld.idx.msk [tilespmem:v58+s16+$0x0], $0xffff;
	v14 =	vadd.f32 v61, v3  }
0x12d: {  	v32 =	vld.idx.msk [tilespmem:v20+s15+$0x0], $0xffff;
	v34 =	vadd.f32 v21, v4;
	v33 =	vmul.f32 v30, v27;
	v1 =	vadd.f32 v29, v1  }
0x12e: {  	v35 =	vor.u32 $0xC, v2;
	v9 =	vld.idx.msk [tilespmem:v20+s16+$0x0], $0xffff;
	v36 =	vadd.f32 v23, v3  }
0x12f: {  	v37 =	vld.idx.msk [tilespmem:v26+s15+$0x0], $0xffff;
	v38 =	vmul.f32 v34, v14;
	v39 =	vadd.f32 v10, v4;
	v1 =	vadd.f32 v33, v1  }
0x130: {  	v40 =	vor.u32 $0xD, v2;
	v11 =	vld.idx.msk [tilespmem:v26+s16+$0x0], $0xffff;
	v41 =	vadd.f32 v28, v3  }
0x131: {  	v42 =	vld.idx.msk [tilespmem:v31+s15+$0x0], $0xffff;
	v43 =	vmul.f32 v39, v36;
	v44 =	vadd.f32 v7, v4;
	v1 =	vadd.f32 v38, v1  }
0x132: {  	v45 =	vor.u32 $0xE, v2;
	v8 =	vld.idx.msk [tilespmem:v31+s16+$0x0], $0xffff;
	v46 =	vadd.f32 v32, v3  }
0x133: {  	v47 =	vld.idx.msk [tilespmem:v35+s15+$0x0], $0xffff;
	v49 =	vadd.f32 v9, v4;
	v48 =	vmul.f32 v44, v41;
	v1 =	vadd.f32 v43, v1  }
0x134: {  	v50 =	vor.u32 $0xF, v2;
	v51 =	vadd.f32 v37, v3;
	v12 =	vld.idx.msk [tilespmem:v35+s16+$0x0], $0xffff  }
0x135: {  	v52 =	vld.idx.msk [tilespmem:v40+s15+$0x0], $0xffff;
	v54 =	vadd.f32 v11, v4;
	v53 =	vmul.f32 v49, v46;
	v1 =	vadd.f32 v48, v1  }
0x136: {  	v55 =	vor.u32 $0x10, v2;
	v56 =	vadd.f32 v42, v3;
	v10 =	vld.idx.msk [tilespmem:v40+s16+$0x0], $0xffff  }
0x137: {  	v57 =	vld.idx.msk [tilespmem:v45+s15+$0x0], $0xffff;
	v59 =	vadd.f32 v8, v4;
	v58 =	vmul.f32 v54, v51;
	v1 =	vadd.f32 v53, v1  }
0x138: {  	v61 =	vadd.f32 v47, v3;
	v60 =	vor.u32 $0x11, v2;
	v7 =	vld.idx.msk [tilespmem:v45+s16+$0x0], $0xffff  }
0x139: {  	v9 =	vld.idx.msk [tilespmem:v50+s16+$0x0], $0xffff;
	v63 =	vmul.f32 v59, v56;
	v20 =	vadd.f32 v12, v4;
	v1 =	vadd.f32 v58, v1  }
0x13a: {  	v21 =	vor.u32 $0x12, v2;
	v22 =	vadd.f32 v52, v3;
	v62 =	vld.idx.msk [tilespmem:v50+s15+$0x0], $0xffff  }
0x13b: {  	v23 =	vld.idx.msk [tilespmem:v55+s15+$0x0], $0xffff;
	v25 =	vadd.f32 v10, v4;
	v24 =	vmul.f32 v20, v61;
	v1 =	vadd.f32 v63, v1  }
0x13c: {  	v26 =	vor.u32 $0x13, v2;
	v11 =	vld.idx.msk [tilespmem:v55+s16+$0x0], $0xffff;
	v27 =	vadd.f32 v57, v3  }
0x13d: {  	v28 =	vld.idx.msk [tilespmem:v60+s15+$0x0], $0xffff;
	v29 =	vmul.f32 v25, v22;
	v30 =	vadd.f32 v7, v4;
	v1 =	vadd.f32 v24, v1  }
0x13e: {  	v31 =	vor.u32 $0x14, v2;
	v8 =	vld.idx.msk [tilespmem:v60+s16+$0x0], $0xffff;
	v35 =	vadd.f32 v9, v4  }
0x13f: {  	v12 =	vld.idx.msk [tilespmem:v21+s16+$0x0], $0xffff;
	v32 =	vadd.f32 v62, v3;
	v34 =	vmul.f32 v30, v27;
	v1 =	vadd.f32 v29, v1  }
0x140: {  	v36 =	vor.u32 $0x15, v2;
	v37 =	vadd.f32 v23, v3;
	v33 =	vld.idx.msk [tilespmem:v21+s15+$0x0], $0xffff  }
0x141: {  	v10 =	vld.idx.msk [tilespmem:v26+s16+$0x0], $0xffff;
	v40 =	vadd.f32 v11, v4;
	v39 =	vmul.f32 v35, v32;
	v1 =	vadd.f32 v34, v1  }
0x142: {  	v41 =	vor.u32 $0x16, v2;
	v42 =	vadd.f32 v28, v3;
	v38 =	vld.idx.msk [tilespmem:v26+s15+$0x0], $0xffff  }
0x143: {  	v7 =	vld.idx.msk [tilespmem:v31+s16+$0x0], $0xffff;
	v44 =	vmul.f32 v40, v37;
	v45 =	vadd.f32 v8, v4;
	v1 =	vadd.f32 v39, v1  }
0x144: {  	v46 =	vor.u32 $0x17, v2;
	v50 =	vadd.f32 v12, v4;
	v43 =	vld.idx.msk [tilespmem:v31+s15+$0x0], $0xffff  }
0x145: {  	v9 =	vld.idx.msk [tilespmem:v36+s16+$0x0], $0xffff;
	v49 =	vmul.f32 v45, v42;
	v47 =	vadd.f32 v33, v3;
	v1 =	vadd.f32 v44, v1  }
0x146: {  	v51 =	vor.u32 $0x18, v2;
	v55 =	vadd.f32 v10, v4;
	v48 =	vld.idx.msk [tilespmem:v36+s15+$0x0], $0xffff  }
0x147: {  	v11 =	vld.idx.msk [tilespmem:v41+s16+$0x0], $0xffff;
	v52 =	vadd.f32 v38, v3;
	v54 =	vmul.f32 v50, v47;
	v1 =	vadd.f32 v49, v1  }
0x148: {  	v56 =	vor.u32 $0x19, v2;
	v60 =	vadd.f32 v7, v4;
	v53 =	vld.idx.msk [tilespmem:v41+s15+$0x0], $0xffff  }
0x149: {  	v8 =	vld.idx.msk [tilespmem:v46+s16+$0x0], $0xffff;
	v57 =	vadd.f32 v43, v3;
	v59 =	vmul.f32 v55, v52;
	v1 =	vadd.f32 v54, v1  }
0x14a: {  	v61 =	vor.u32 $0x1A, v2;
	v21 =	vadd.f32 v9, v4;
	v58 =	vld.idx.msk [tilespmem:v46+s15+$0x0], $0xffff  }
0x14b: {  	v12 =	vld.idx.msk [tilespmem:v51+s16+$0x0], $0xffff;
	v62 =	vadd.f32 v48, v3;
	v20 =	vmul.f32 v60, v57;
	v1 =	vadd.f32 v59, v1  }
0x14c: {  	v22 =	vor.u32 $0x1B, v2;
	v26 =	vadd.f32 v11, v4;
	v63 =	vld.idx.msk [tilespmem:v51+s15+$0x0], $0xffff  }
0x14d: {  	v10 =	vld.idx.msk [tilespmem:v56+s16+$0x0], $0xffff;
	v23 =	vadd.f32 v53, v3;
	v25 =	vmul.f32 v21, v62;
	v1 =	vadd.f32 v20, v1  }
0x14e: {  	v27 =	vor.u32 $0x1C, v2;
	v31 =	vadd.f32 v8, v4;
	v24 =	vld.idx.msk [tilespmem:v56+s15+$0x0], $0xffff  }
0x14f: {  	v7 =	vld.idx.msk [tilespmem:v61+s16+$0x0], $0xffff;
	v28 =	vadd.f32 v58, v3;
	v30 =	vmul.f32 v26, v23;
	v1 =	vadd.f32 v25, v1  }
0x150: {  	v32 =	vor.u32 $0x1D, v2;
	v36 =	vadd.f32 v12, v4;
	v29 =	vld.idx.msk [tilespmem:v61+s15+$0x0], $0xffff  }
0x151: {  	v9 =	vld.idx.msk [tilespmem:v22+s16+$0x0], $0xffff;
	v33 =	vadd.f32 v63, v3;
	v35 =	vmul.f32 v31, v28;
	v1 =	vadd.f32 v30, v1  }
0x152: {  	v37 =	vor.u32 $0x1E, v2;
	v41 =	vadd.f32 v10, v4;
	v34 =	vld.idx.msk [tilespmem:v22+s15+$0x0], $0xffff  }
0x153: {  	v42 =	vld.idx.msk [tilespmem:v27+s16+$0x0], $0xffff;
	v38 =	vadd.f32 v24, v3;
	v40 =	vmul.f32 v36, v33;
	v1 =	vadd.f32 v35, v1  }
0x154: {  	v2 =	vor.u32 $0x1F, v2;
	v46 =	vadd.f32 v7, v4;
	v39 =	vld.idx.msk [tilespmem:v27+s15+$0x0], $0xffff  }
0x155: {  	v43 =	vadd.f32 v29, v3;
	v45 =	vmul.f32 v41, v38;
	v44 =	vld.idx.msk [tilespmem:v32+s15+$0x0], $0xffff;
	v1 =	vadd.f32 v40, v1  }
0x156: {  	v47 =	vld.idx.msk [tilespmem:v32+s16+$0x0], $0xffff;
	v51 =	vadd.f32 v9, v4  }
0x157: {  	v52 =	vld.idx.msk [tilespmem:v37+s16+$0x0], $0xffff;
	v48 =	vadd.f32 v34, v3;
	v50 =	vmul.f32 v46, v43;
	v1 =	vadd.f32 v45, v1  }
0x158: {  	v56 =	vadd.f32 v42, v4;
	v49 =	vld.idx.msk [tilespmem:v37+s15+$0x0], $0xffff  }
0x159: {  	v53 =	vadd.f32 v39, v3;
	v55 =	vmul.f32 v51, v48;
	v54 =	vld.idx.msk [tilespmem:v2+s15+$0x0], $0xffff;
	v1 =	vadd.f32 v50, v1  }
0x15a: {  	v2 =	vld.idx.msk [tilespmem:v2+s16+$0x0], $0xffff;
	v57 =	vadd.f32 v44, v3  }
0x15b: {  	v58 =	vmul.f32 v56, v53;
	v59 =	vadd.f32 v47, v4;
	v1 =	vadd.f32 v55, v1  }
0x15c: {  	v62 =	vadd.f32 v52, v4  }
0x15d: {  	v60 =	vadd.f32 v49, v3;
	v61 =	vmul.f32 v59, v57;
	v1 =	vadd.f32 v58, v1  }
0x15e: {  	v3 =	vadd.f32 v54, v3  }
0x15f: {  	v63 =	vmul.f32 v62, v60;
	v2 =	vadd.f32 v2, v4;
	v1 =	vadd.f32 v61, v1;
	_ =	sdelay $0x1  }
0x160: {  	v2 =	vmul.f32 v2, v3;
	v1 =	vadd.f32 v63, v1;
	_ =	sdelay $0x1  }
0x161: {  	s19 =	sadd.s32 $0x1, s19;
	v1 =	vadd.f32 v2, v1  }
0x162: {  	s31 =	sadd.s32 $0x10, s22;
	p0 =	sne.s32 s19, s11  }
.Ltmp1:
0x163: {  	[tilespmem:s31+$0x0] =	vst v1;
	(pc) =	sbr.rel @p0 .LBB2_1-.Ltmp1, $4  }
0x164: {  	[hbm4b:s10+s4] =	stream.linear.scatter [tilespmem:s18], [sflag:$0x2], $0x200, $0x38;
	[tilespmem:$0x8A10] =	vst v63  }
0x165: {  	_ =	swait.ge [sflag:s12], $0x200  }
0x166: {  	[sflag:s12] =	ssyncset.done $0x0  }
0x167: {  	[sflag:s12] =	ssyncadd.s32 $0xFFFFFE00  }
0x168: {  	_ =	sfence.sel $0x180000  }
0x169: {  	[bflag:$0x0] =	sbarrier.arrive $0xFFFF  }
0x16a: {  	p0 =	sne.s32 s5, $0x0;
	_ =	strace $0x90000047  }
0x16b: {  	s0 =	sadd.s32 @!p0 $0x100000, s0;
	[bflag:$0x2] =	sbarrier.arrive $0xFFFF  }
0x16c: {  	[sflag:s0] =	ssyncadd.tile.s32 @!p0 $0x1;
	_ =	shalt  }
.Lfunc_end2:
_tile_overlayer_lowered:
.L_overlay_start_2:
0x16d: {  	(tag) =	ssettag $0x2  }
0x16e: {  	s0 =	rddreg [dreg:$0x0];
	s2 =	stileid.u32  }
0x16f: {  	s1 =	rddreg [dreg:$0x1];
	p0 =	sne.s32 s2, $0x0  }
0x170: {  	s3 =	rddreg [dreg:$0x2];
	[bflag:$0x3] =	sbarrier.arrive $0xFFFF;
	s2 =	simm.s32 @!p0 $0x1C02  }
0x171: {  	[timem:s3], [sflag:s2] =	dma.local @!p0 [hbm:s0], s1  }
0x172: {  	s0 =	simm.s32 @!p0 $0x2  }
0x173: {  	_ =	swait.ge @!p0 [sflag:s0], s1  }
0x174: {  	s1 =	ssub.s32 @!p0 $0x0, s1;
	[sflag:s0] =	ssyncset.done @!p0 $0x0  }
0x175: {  	[sflag:s0] =	ssyncadd.s32 @!p0 s1  }
0x176: {  	[bflag:$0x3] =	sbarrier.arrive $0xFFFF  }
0x177: {  	_ =	shalt  }

</sc_bundles>
